<compile_context>
chip_gen: v7x
topology: tpu7x:2x2x1
jax: 0.10.2.dev20260603
libtpu: 0.0.44.dev20260713+nightly
codegen_flags: <defaults>
</compile_context>

<pallas_src>
import functools

import jax
import jax.numpy as jnp
from jax import lax
from jax.experimental import pallas as pl
from jax.experimental.pallas import tpu as pltpu
from jax.experimental.pallas import tpu_sc as plsc

NC, NS = 2, 16
NW = NC * NS
CH = 104

_MESH = plsc.VectorSubcoreMesh(
    core_axis_name="c", subcore_axis_name="s", num_cores=NC, num_subcores=NS
)


def _deg_kernel_fn(npad, nch, rpt, feat):
    return _deg_kernel_fn2(npad, nch, rpt, feat, jnp.float32)


def _deg_kernel_fn2(npad, nch, rpt, feat, dt):
    @functools.partial(
        pl.kernel,
        out_type=jax.ShapeDtypeStruct((NC, npad, feat), dt),
        mesh=_MESH,
        scratch_types=[
            pltpu.VMEM((nch, CH), jnp.int32),
            pltpu.VMEM((CH, feat), dt),
            pltpu.VMEM_SHARED((npad, feat), dt),
        ],
    )
    def deg_kernel(dst_hbm, ones_hbm, zeros_hbm, deg_out, dst_v, ones_v, deg_sh):
        c = lax.axis_index("c")
        s = lax.axis_index("s")
        gt = c * NS + s
        pltpu.sync_copy(dst_hbm.at[gt], dst_v)
        pltpu.sync_copy(ones_hbm, ones_v)
        base = pl.multiple_of(s * rpt, 8)
        pltpu.sync_copy(zeros_hbm.at[pl.ds(base, rpt)],
                        deg_sh.at[pl.ds(base, rpt)])
        plsc.subcore_barrier()

        def body(j, carry):
            pltpu.sync_copy(ones_v, deg_sh.at[dst_v.at[j]], add=True)
            return carry

        lax.fori_loop(0, nch, body, 0)
        plsc.subcore_barrier()
        pltpu.sync_copy(deg_sh.at[pl.ds(base, rpt)],
                        deg_out.at[c, pl.ds(base, rpt)])

    return deg_kernel


def _scatter_kernel_fn(npad, nch, rpt, ept, feat):
    @functools.partial(
        pl.kernel,
        out_type=jax.ShapeDtypeStruct((NC, npad, feat), jnp.float32),
        mesh=_MESH,
        scratch_types=[
            pltpu.VMEM((ept,), jnp.int32),
            pltpu.VMEM((nch, CH), jnp.int32),
            pltpu.VMEM((2, CH, feat), jnp.float32),
            pltpu.VMEM_SHARED((npad, feat), jnp.float32),
            pltpu.SemaphoreType.DMA,
        ],
    )
    def scatter_kernel(hs_hbm, src_hbm, dst_hbm, zeros_hbm, acc_out,
                       src_v, dst_v, rows_v, acc_sh, sem_g):
        c = lax.axis_index("c")
        s = lax.axis_index("s")
        gt = c * NS + s
        pltpu.sync_copy(src_hbm.at[gt], src_v)
        pltpu.sync_copy(dst_hbm.at[gt], dst_v)
        base = pl.multiple_of(s * rpt, 8)
        pltpu.sync_copy(zeros_hbm.at[pl.ds(base, rpt)],
                        acc_sh.at[pl.ds(base, rpt)])
        plsc.subcore_barrier()

        def issue(j, par):
            off = pl.multiple_of(j * CH, 8)
            pltpu.async_copy(hs_hbm.at[src_v.at[pl.ds(off, CH)]],
                             rows_v.at[par], sem_g)

        def wait(j, par):
            off = pl.multiple_of(j * CH, 8)
            pltpu.make_async_copy(
                hs_hbm.at[src_v.at[pl.ds(off, CH)]],
                rows_v.at[par], sem_g).wait()

        issue(0, 0)

        def body(j, carry):
            par = lax.rem(j, 2)
            wait(j, par)
            issue(j + 1, 1 - par)
            pltpu.sync_copy(rows_v.at[par], acc_sh.at[dst_v.at[j]],
                            add=True)
            return carry

        lax.fori_loop(0, nch - 1, body, 0)
        last = nch - 1
        lpar = lax.rem(last, 2)
        wait(last, lpar)
        pltpu.sync_copy(rows_v.at[lpar], acc_sh.at[dst_v.at[last]], add=True)
        plsc.subcore_barrier()
        pltpu.sync_copy(acc_sh.at[pl.ds(base, rpt)],
                        acc_out.at[c, pl.ds(base, rpt)])

    return scatter_kernel


def _scale_body(x_ref, dp_ref, xs_ref):
    dis = lax.rsqrt(dp_ref[0][:, 0:1] + dp_ref[1][:, 0:1] + 1.0)
    xs_ref[...] = x_ref[...] * dis


def _combine_body(p_ref, dp_ref, xs_ref, w_ref, b_ref, o_ref):
    dis = lax.rsqrt(dp_ref[0][:, 0:1] + dp_ref[1][:, 0:1] + 1.0)
    agg = dis * (p_ref[0] + p_ref[1] + xs_ref[...])
    o_ref[...] = jnp.dot(agg, w_ref[...],
                         preferred_element_type=jnp.float32) + b_ref[...]


def kernel(x, edge_index, W, b):
    n, feat = x.shape
    e = edge_index.shape[1]
    npad = ((n + 1 + NS * 8 - 1) // (NS * 8)) * (NS * 8)
    rpt = npad // NS
    ept = ((e + NW * CH - 1) // (NW * CH)) * CH
    nch = ept // CH
    epad = ept * NW

    src = edge_index[0].astype(jnp.int32)
    dst = edge_index[1].astype(jnp.int32)
    e2 = ((e + NW - 1) // NW) * NW
    src2 = jnp.concatenate(
        [src, jnp.zeros((e2 - e,), jnp.int32)]).reshape(NW, e2 // NW)
    dst2 = jnp.concatenate(
        [dst, jnp.full((e2 - e,), npad - 1, jnp.int32)]).reshape(NW, e2 // NW)
    ppt = ept - e2 // NW
    pad_rows = jnp.arange(NW * ppt, dtype=jnp.int32).reshape(NW, ppt)
    src_p = jnp.concatenate([src2, pad_rows % n], axis=1)
    dst_p = jnp.concatenate(
        [dst2, n + pad_rows % (npad - n)], axis=1).reshape(NW, nch, CH)

    onesf = jnp.ones((CH, feat), jnp.float32)
    zerosf = jnp.zeros((npad, feat), jnp.float32)

    deg_parts = _deg_kernel_fn(npad, nch, rpt, feat)(dst_p, onesf, zerosf)

    mblk = n // 5
    xs = pl.pallas_call(
        _scale_body,
        grid=(n // mblk,),
        in_specs=[
            pl.BlockSpec((mblk, feat), lambda i: (i, 0)),
            pl.BlockSpec((NC, mblk, feat), lambda i: (0, i, 0)),
        ],
        out_specs=pl.BlockSpec((mblk, feat), lambda i: (i, 0)),
        out_shape=jax.ShapeDtypeStruct((n, feat), jnp.float32),
    )(x, deg_parts)

    acc_parts = _scatter_kernel_fn(npad, nch, rpt, ept, feat)(
        xs, src_p, dst_p, zerosf)

    out = pl.pallas_call(
        _combine_body,
        grid=(n // mblk,),
        in_specs=[
            pl.BlockSpec((NC, mblk, feat), lambda i: (0, i, 0)),
            pl.BlockSpec((NC, mblk, feat), lambda i: (0, i, 0)),
            pl.BlockSpec((mblk, feat), lambda i: (i, 0)),
            pl.BlockSpec((feat, feat), lambda i: (0, 0)),
            pl.BlockSpec((1, feat), lambda i: (0, 0)),
        ],
        out_specs=pl.BlockSpec((mblk, feat), lambda i: (i, 0)),
        out_shape=jax.ShapeDtypeStruct((n, feat), jnp.float32),
    )(acc_parts, deg_parts, xs, W, b.reshape(1, feat))

    return out

# --- scband reference (transcript-rebuilt; emitter-appended) ---
"""Pipeline reference for scband-mol-encoder-12592844112146 (READ-ONLY COPY).

The authoritative reference and input builder live on the scoring server;
editing this copy changes nothing except your own understanding.
"""

import jax, jax.numpy as jnp
import numpy as np

N_NODES = 10000
N_EDGES = 320000
IN_CH = 128
OUT_CH = 128

def setup_inputs(seed: int = 0) -> dict:
    key = jax.random.key(seed)
    k1, k2, k3 = jax.random.split(key, 3)
    x = jax.random.normal(k1, (N_NODES, IN_CH), dtype=jnp.float32)
    edge_index = jax.random.randint(k2, (2, N_EDGES), 0, N_NODES, dtype=jnp.int64)
    # GCNConv learned params: weight [in, out] (glorot), bias [out] (zeros init; use zeros)
    limit = float(np.sqrt(6.0 / (IN_CH + OUT_CH)))
    W = jax.random.uniform(k3, (IN_CH, OUT_CH), minval=-limit, maxval=limit, dtype=jnp.float32)
    b = jnp.zeros((OUT_CH,), dtype=jnp.float32)
    return {"x": x, "edge_index": edge_index, "W": W, "b": b}

def reference(x, edge_index, W, b):
    # Faithful GCNConv (PyG defaults): add self-loops, symmetric normalization,
    # linear transform, scatter-add aggregation at dst, plus bias.
    N = x.shape[0]
    src = edge_index[0]
    dst = edge_index[1]
    loop = jnp.arange(N, dtype=edge_index.dtype)
    src = jnp.concatenate([src, loop])
    dst = jnp.concatenate([dst, loop])
    ew = jnp.ones((src.shape[0],), dtype=x.dtype)
    deg = jnp.zeros((N,), dtype=x.dtype).at[dst].add(ew)
    deg_inv_sqrt = jnp.where(deg > 0, jax.lax.rsqrt(jnp.maximum(deg, 1e-12)), 0.0)
    norm = deg_inv_sqrt[src] * deg_inv_sqrt[dst]
    h = x @ W
    msg = h[src] * norm[:, None]
    out = jnp.zeros((N, h.shape[1]), dtype=x.dtype).at[dst].add(msg)
    return out + b

if __name__ == "__main__":
    import jax
    _d = setup_inputs()
    print(jax.jit(kernel)(*tuple(_d.values())))

</pallas_src>

<mosaic_0001>
#map = affine_map<(d0, d1) -> (0, 0, 0)>
#map1 = affine_map<(d0, d1) -> (0, 0)>
module attributes {stable_mosaic.version = 14 : i64} {
  func.func @deg_kernel(%arg0: i32, %arg1: i32, %arg2: memref<32x97x104xi32, #tpu.memory_space<hbm>>, %arg3: memref<104x128xf32, #tpu.memory_space<hbm>>, %arg4: memref<10112x128xf32, #tpu.memory_space<hbm>>, %arg5: memref<2x10112x128xf32, #tpu.memory_space<hbm>>, %arg6: memref<97x104xi32, #tpu.memory_space<vmem>>, %arg7: memref<104x128xf32, #tpu.memory_space<vmem>>, %arg8: memref<10112x128xf32, #tpu.memory_space<vmem_shared>>) attributes {dimension_semantics = [#tpu.dimension_semantics<core_parallel>, #tpu.dimension_semantics<subcore_parallel>], iteration_bounds = array<i64: 2, 16>, scalar_prefetch = 0 : i64, scratch_operands = 3 : i64, tpu.core_type = #tpu.core_type<sc_vector_subcore>, window_params = [{transform_indices = #map}, {transform_indices = #map1}, {transform_indices = #map1}, {transform_indices = #map}]} {
    %mul3A = arith.constant 16 : i32
    %mul3A_0 = arith.muli %arg0, %mul3A : i32
    %add3A = arith.addi %mul3A_0, %arg1 : i32
    "tpu.region"() ({
      %run_scoped3A = tpu.sem_alloc : memref<!tpu.dma_semaphore, #tpu.memory_space<semaphore_mem>>
      %dma_start3A = arith.constant 0 : i32
      %dma_start3A_9 = arith.constant 0 : i32
      %dma_start3A_10 = tpu.memref_slice %arg2[%add3A, %dma_start3A, %dma_start3A_9] : memref<32x97x104xi32, #tpu.memory_space<hbm>> -> memref<1x97x104xi32, #tpu.memory_space<hbm>>
      %dma_start3A_11 = tpu.memref_squeeze %dma_start3A_10 : memref<1x97x104xi32, #tpu.memory_space<hbm>> -> memref<97x104xi32, #tpu.memory_space<hbm>>
      %dma_start3A_12 = arith.constant 0 : i32
      %dma_start3A_13 = arith.constant 0 : i32
      %dma_start3A_14 = tpu.memref_slice %arg2[%add3A, %dma_start3A_12, %dma_start3A_13] : memref<32x97x104xi32, #tpu.memory_space<hbm>> -> memref<1x97x104xi32, #tpu.memory_space<hbm>>
      %dma_start3A_15 = tpu.memref_squeeze %dma_start3A_14 : memref<1x97x104xi32, #tpu.memory_space<hbm>> -> memref<97x104xi32, #tpu.memory_space<hbm>>
      tpu.enqueue_dma source(%dma_start3A_15 : memref<97x104xi32, #tpu.memory_space<hbm>>) target(%arg6 : memref<97x104xi32, #tpu.memory_space<vmem>>) target_semaphore(%run_scoped3A : memref<!tpu.dma_semaphore, #tpu.memory_space<semaphore_mem>>)
      %dma_wait3A = arith.constant 0 : i32
      %dma_wait3A_16 = arith.constant 0 : i32
      %dma_wait3A_17 = tpu.memref_slice %arg2[%add3A, %dma_wait3A, %dma_wait3A_16] : memref<32x97x104xi32, #tpu.memory_space<hbm>> -> memref<1x97x104xi32, #tpu.memory_space<hbm>>
      %dma_wait3A_18 = tpu.memref_squeeze %dma_wait3A_17 : memref<1x97x104xi32, #tpu.memory_space<hbm>> -> memref<97x104xi32, #tpu.memory_space<hbm>>
      %dma_wait3A_19 = arith.constant 0 : i32
      %dma_wait3A_20 = arith.constant 0 : i32
      %dma_wait3A_21 = tpu.memref_slice %arg2[%add3A, %dma_wait3A_19, %dma_wait3A_20] : memref<32x97x104xi32, #tpu.memory_space<hbm>> -> memref<1x97x104xi32, #tpu.memory_space<hbm>>
      %dma_wait3A_22 = tpu.memref_squeeze %dma_wait3A_21 : memref<1x97x104xi32, #tpu.memory_space<hbm>> -> memref<97x104xi32, #tpu.memory_space<hbm>>
      tpu.wait_dma2 semaphore(%run_scoped3A : memref<!tpu.dma_semaphore, #tpu.memory_space<semaphore_mem>>) src(%dma_wait3A_22 : memref<97x104xi32, #tpu.memory_space<hbm>>) dst(%arg6 : memref<97x104xi32, #tpu.memory_space<vmem>>)
      tpu.yield
    }) : () -> ()
    "tpu.region"() ({
      %run_scoped3A = tpu.sem_alloc : memref<!tpu.dma_semaphore, #tpu.memory_space<semaphore_mem>>
      tpu.enqueue_dma source(%arg3 : memref<104x128xf32, #tpu.memory_space<hbm>>) target(%arg7 : memref<104x128xf32, #tpu.memory_space<vmem>>) target_semaphore(%run_scoped3A : memref<!tpu.dma_semaphore, #tpu.memory_space<semaphore_mem>>)
      tpu.wait_dma2 semaphore(%run_scoped3A : memref<!tpu.dma_semaphore, #tpu.memory_space<semaphore_mem>>) src(%arg3 : memref<104x128xf32, #tpu.memory_space<hbm>>) dst(%arg7 : memref<104x128xf32, #tpu.memory_space<vmem>>)
      tpu.yield
    }) : () -> ()
    %mul3A_1 = arith.constant 632 : i32
    %mul3A_2 = arith.muli %arg1, %mul3A_1 : i32
    %multiple_of3A = tpu.assume_multiple %mul3A_2, 8 : i32
    "tpu.region"() ({
      %run_scoped3A = tpu.sem_alloc : memref<!tpu.dma_semaphore, #tpu.memory_space<semaphore_mem>>
      %dma_start3A = arith.constant 0 : i32
      %dma_start3A_9 = tpu.memref_slice %arg8[%multiple_of3A, %dma_start3A] : memref<10112x128xf32, #tpu.memory_space<vmem_shared>> -> memref<632x128xf32, #tpu.memory_space<vmem_shared>>
      %dma_start3A_10 = arith.constant 0 : i32
      %dma_start3A_11 = tpu.memref_slice %arg4[%multiple_of3A, %dma_start3A_10] : memref<10112x128xf32, #tpu.memory_space<hbm>> -> memref<632x128xf32, #tpu.memory_space<hbm>>
      tpu.enqueue_dma source(%dma_start3A_11 : memref<632x128xf32, #tpu.memory_space<hbm>>) target(%dma_start3A_9 : memref<632x128xf32, #tpu.memory_space<vmem_shared>>) target_semaphore(%run_scoped3A : memref<!tpu.dma_semaphore, #tpu.memory_space<semaphore_mem>>)
      %dma_wait3A = arith.constant 0 : i32
      %dma_wait3A_12 = tpu.memref_slice %arg8[%multiple_of3A, %dma_wait3A] : memref<10112x128xf32, #tpu.memory_space<vmem_shared>> -> memref<632x128xf32, #tpu.memory_space<vmem_shared>>
      %dma_wait3A_13 = arith.constant 0 : i32
      %dma_wait3A_14 = tpu.memref_slice %arg4[%multiple_of3A, %dma_wait3A_13] : memref<10112x128xf32, #tpu.memory_space<hbm>> -> memref<632x128xf32, #tpu.memory_space<hbm>>
      tpu.wait_dma2 semaphore(%run_scoped3A : memref<!tpu.dma_semaphore, #tpu.memory_space<semaphore_mem>>) src(%dma_wait3A_14 : memref<632x128xf32, #tpu.memory_space<hbm>>) dst(%dma_wait3A_12 : memref<632x128xf32, #tpu.memory_space<vmem_shared>>)
      tpu.yield
    }) : () -> ()
    %barrier3A = arith.constant 0 : index
    tpu.barrier barrier_id(%barrier3A)
    %scan3A = arith.constant 0 : i32
    %scan3A_3 = arith.constant 0 : i32
    %scan3A_4 = arith.constant 97 : i32
    %scan3A_5 = arith.addi %scan3A_3, %scan3A_4 : i32
    %scan3A_6 = arith.constant 1 : i32
    scf.for %scan3A_9 = %scan3A_3 to %scan3A_5 step %scan3A_6  : i32 {
      "tpu.region"() ({
        %run_scoped3A = tpu.sem_alloc : memref<!tpu.dma_semaphore, #tpu.memory_space<semaphore_mem>>
        %dma_start3A = arith.constant 0 : i32
        %dma_start3A_10 = tpu.memref_slice %arg6[%scan3A_9, %dma_start3A] : memref<97x104xi32, #tpu.memory_space<vmem>> -> memref<1x104xi32, #tpu.memory_space<vmem>>
        %dma_start3A_11 = tpu.memref_squeeze %dma_start3A_10 : memref<1x104xi32, #tpu.memory_space<vmem>> -> memref<104xi32, #tpu.memory_space<vmem>>
        %dma_start3A_12 = arith.constant 0 : i32
        %dma_start3A_13 = arith.constant 0 : i32
        %dma_start3A_14 = tpu.memref_slice %arg8[%dma_start3A_12, %dma_start3A_13] : memref<10112x128xf32, #tpu.memory_space<vmem_shared>> -> memref<10112x128xf32, #tpu.memory_space<vmem_shared>>
        tpu.enqueue_indirect_dma source(%arg7 : memref<104x128xf32, #tpu.memory_space<vmem>>) target(%dma_start3A_14 : memref<10112x128xf32, #tpu.memory_space<vmem_shared>>) offsets(%dma_start3A_11 : memref<104xi32, #tpu.memory_space<vmem>>) semaphore(%run_scoped3A : memref<!tpu.dma_semaphore, #tpu.memory_space<semaphore_mem>>) {add = true}
        %dma_wait3A = arith.constant 0 : i32
        %dma_wait3A_15 = tpu.memref_slice %arg6[%scan3A_9, %dma_wait3A] : memref<97x104xi32, #tpu.memory_space<vmem>> -> memref<1x104xi32, #tpu.memory_space<vmem>>
        %dma_wait3A_16 = tpu.memref_squeeze %dma_wait3A_15 : memref<1x104xi32, #tpu.memory_space<vmem>> -> memref<104xi32, #tpu.memory_space<vmem>>
        %dma_wait3A_17 = arith.constant 0 : i32
        %dma_wait3A_18 = arith.constant 0 : i32
        %dma_wait3A_19 = tpu.memref_slice %arg8[%dma_wait3A_17, %dma_wait3A_18] : memref<10112x128xf32, #tpu.memory_space<vmem_shared>> -> memref<10112x128xf32, #tpu.memory_space<vmem_shared>>
        tpu.wait_indirect_dma semaphore(%run_scoped3A : memref<!tpu.dma_semaphore, #tpu.memory_space<semaphore_mem>>) src(%arg7 : memref<104x128xf32, #tpu.memory_space<vmem>>) dst(%dma_wait3A_19 : memref<10112x128xf32, #tpu.memory_space<vmem_shared>>)
        tpu.yield
      }) : () -> ()
    }
    %scan3A_7 = arith.constant 97 : i32
    %barrier3A_8 = arith.constant 0 : index
    tpu.barrier barrier_id(%barrier3A_8)
    "tpu.region"() ({
      %run_scoped3A = tpu.sem_alloc : memref<!tpu.dma_semaphore, #tpu.memory_space<semaphore_mem>>
      %dma_start3A = arith.constant 0 : i32
      %dma_start3A_9 = tpu.memref_slice %arg5[%arg0, %multiple_of3A, %dma_start3A] : memref<2x10112x128xf32, #tpu.memory_space<hbm>> -> memref<1x632x128xf32, #tpu.memory_space<hbm>>
      %dma_start3A_10 = tpu.memref_squeeze %dma_start3A_9 : memref<1x632x128xf32, #tpu.memory_space<hbm>> -> memref<632x128xf32, #tpu.memory_space<hbm>>
      %dma_start3A_11 = arith.constant 0 : i32
      %dma_start3A_12 = tpu.memref_slice %arg8[%multiple_of3A, %dma_start3A_11] : memref<10112x128xf32, #tpu.memory_space<vmem_shared>> -> memref<632x128xf32, #tpu.memory_space<vmem_shared>>
      tpu.enqueue_dma source(%dma_start3A_12 : memref<632x128xf32, #tpu.memory_space<vmem_shared>>) target(%dma_start3A_10 : memref<632x128xf32, #tpu.memory_space<hbm>>) target_semaphore(%run_scoped3A : memref<!tpu.dma_semaphore, #tpu.memory_space<semaphore_mem>>)
      %dma_wait3A = arith.constant 0 : i32
      %dma_wait3A_13 = tpu.memref_slice %arg5[%arg0, %multiple_of3A, %dma_wait3A] : memref<2x10112x128xf32, #tpu.memory_space<hbm>> -> memref<1x632x128xf32, #tpu.memory_space<hbm>>
      %dma_wait3A_14 = tpu.memref_squeeze %dma_wait3A_13 : memref<1x632x128xf32, #tpu.memory_space<hbm>> -> memref<632x128xf32, #tpu.memory_space<hbm>>
      %dma_wait3A_15 = arith.constant 0 : i32
      %dma_wait3A_16 = tpu.memref_slice %arg8[%multiple_of3A, %dma_wait3A_15] : memref<10112x128xf32, #tpu.memory_space<vmem_shared>> -> memref<632x128xf32, #tpu.memory_space<vmem_shared>>
      tpu.wait_dma2 semaphore(%run_scoped3A : memref<!tpu.dma_semaphore, #tpu.memory_space<semaphore_mem>>) src(%dma_wait3A_16 : memref<632x128xf32, #tpu.memory_space<vmem_shared>>) dst(%dma_wait3A_14 : memref<632x128xf32, #tpu.memory_space<hbm>>)
      tpu.yield
    }) : () -> ()
    return
  }
}

#map = affine_map<(d0, d1) -> (0, 0)>
#map1 = affine_map<(d0, d1) -> (0, 0, 0)>
module attributes {stable_mosaic.version = 14 : i64} {
  func.func @scatter_kernel(%arg0: i32, %arg1: i32, %arg2: memref<10000x128xf32, #tpu.memory_space<hbm>>, %arg3: memref<32x10088xi32, #tpu.memory_space<hbm>>, %arg4: memref<32x97x104xi32, #tpu.memory_space<hbm>>, %arg5: memref<10112x128xf32, #tpu.memory_space<hbm>>, %arg6: memref<2x10112x128xf32, #tpu.memory_space<hbm>>, %arg7: memref<10088xi32, #tpu.memory_space<vmem>>, %arg8: memref<97x104xi32, #tpu.memory_space<vmem>>, %arg9: memref<2x104x128xf32, #tpu.memory_space<vmem>>, %arg10: memref<10112x128xf32, #tpu.memory_space<vmem_shared>>, %arg11: memref<!tpu.dma_semaphore, #tpu.memory_space<semaphore_mem>>) attributes {dimension_semantics = [#tpu.dimension_semantics<core_parallel>, #tpu.dimension_semantics<subcore_parallel>], iteration_bounds = array<i64: 2, 16>, scalar_prefetch = 0 : i64, scratch_operands = 5 : i64, tpu.core_type = #tpu.core_type<sc_vector_subcore>, window_params = [{transform_indices = #map}, {transform_indices = #map}, {transform_indices = #map1}, {transform_indices = #map}, {transform_indices = #map1}]} {
    %mul3A = arith.constant 16 : i32
    %mul3A_0 = arith.muli %arg0, %mul3A : i32
    %add3A = arith.addi %mul3A_0, %arg1 : i32
    "tpu.region"() ({
      %run_scoped3A_30 = tpu.sem_alloc : memref<!tpu.dma_semaphore, #tpu.memory_space<semaphore_mem>>
      %dma_start3A_31 = arith.constant 0 : i32
      %dma_start3A_32 = tpu.memref_slice %arg3[%add3A, %dma_start3A_31] : memref<32x10088xi32, #tpu.memory_space<hbm>> -> memref<1x10088xi32, #tpu.memory_space<hbm>>
      %dma_start3A_33 = tpu.memref_squeeze %dma_start3A_32 : memref<1x10088xi32, #tpu.memory_space<hbm>> -> memref<10088xi32, #tpu.memory_space<hbm>>
      %dma_start3A_34 = arith.constant 0 : i32
      %dma_start3A_35 = tpu.memref_slice %arg3[%add3A, %dma_start3A_34] : memref<32x10088xi32, #tpu.memory_space<hbm>> -> memref<1x10088xi32, #tpu.memory_space<hbm>>
      %dma_start3A_36 = tpu.memref_squeeze %dma_start3A_35 : memref<1x10088xi32, #tpu.memory_space<hbm>> -> memref<10088xi32, #tpu.memory_space<hbm>>
      tpu.enqueue_dma source(%dma_start3A_36 : memref<10088xi32, #tpu.memory_space<hbm>>) target(%arg7 : memref<10088xi32, #tpu.memory_space<vmem>>) target_semaphore(%run_scoped3A_30 : memref<!tpu.dma_semaphore, #tpu.memory_space<semaphore_mem>>)
      %dma_wait3A_37 = arith.constant 0 : i32
      %dma_wait3A_38 = tpu.memref_slice %arg3[%add3A, %dma_wait3A_37] : memref<32x10088xi32, #tpu.memory_space<hbm>> -> memref<1x10088xi32, #tpu.memory_space<hbm>>
      %dma_wait3A_39 = tpu.memref_squeeze %dma_wait3A_38 : memref<1x10088xi32, #tpu.memory_space<hbm>> -> memref<10088xi32, #tpu.memory_space<hbm>>
      %dma_wait3A_40 = arith.constant 0 : i32
      %dma_wait3A_41 = tpu.memref_slice %arg3[%add3A, %dma_wait3A_40] : memref<32x10088xi32, #tpu.memory_space<hbm>> -> memref<1x10088xi32, #tpu.memory_space<hbm>>
      %dma_wait3A_42 = tpu.memref_squeeze %dma_wait3A_41 : memref<1x10088xi32, #tpu.memory_space<hbm>> -> memref<10088xi32, #tpu.memory_space<hbm>>
      tpu.wait_dma2 semaphore(%run_scoped3A_30 : memref<!tpu.dma_semaphore, #tpu.memory_space<semaphore_mem>>) src(%dma_wait3A_42 : memref<10088xi32, #tpu.memory_space<hbm>>) dst(%arg7 : memref<10088xi32, #tpu.memory_space<vmem>>)
      tpu.yield
    }) : () -> ()
    "tpu.region"() ({
      %run_scoped3A_30 = tpu.sem_alloc : memref<!tpu.dma_semaphore, #tpu.memory_space<semaphore_mem>>
      %dma_start3A_31 = arith.constant 0 : i32
      %dma_start3A_32 = arith.constant 0 : i32
      %dma_start3A_33 = tpu.memref_slice %arg4[%add3A, %dma_start3A_31, %dma_start3A_32] : memref<32x97x104xi32, #tpu.memory_space<hbm>> -> memref<1x97x104xi32, #tpu.memory_space<hbm>>
      %dma_start3A_34 = tpu.memref_squeeze %dma_start3A_33 : memref<1x97x104xi32, #tpu.memory_space<hbm>> -> memref<97x104xi32, #tpu.memory_space<hbm>>
      %dma_start3A_35 = arith.constant 0 : i32
      %dma_start3A_36 = arith.constant 0 : i32
      %dma_start3A_37 = tpu.memref_slice %arg4[%add3A, %dma_start3A_35, %dma_start3A_36] : memref<32x97x104xi32, #tpu.memory_space<hbm>> -> memref<1x97x104xi32, #tpu.memory_space<hbm>>
      %dma_start3A_38 = tpu.memref_squeeze %dma_start3A_37 : memref<1x97x104xi32, #tpu.memory_space<hbm>> -> memref<97x104xi32, #tpu.memory_space<hbm>>
      tpu.enqueue_dma source(%dma_start3A_38 : memref<97x104xi32, #tpu.memory_space<hbm>>) target(%arg8 : memref<97x104xi32, #tpu.memory_space<vmem>>) target_semaphore(%run_scoped3A_30 : memref<!tpu.dma_semaphore, #tpu.memory_space<semaphore_mem>>)
      %dma_wait3A_39 = arith.constant 0 : i32
      %dma_wait3A_40 = arith.constant 0 : i32
      %dma_wait3A_41 = tpu.memref_slice %arg4[%add3A, %dma_wait3A_39, %dma_wait3A_40] : memref<32x97x104xi32, #tpu.memory_space<hbm>> -> memref<1x97x104xi32, #tpu.memory_space<hbm>>
      %dma_wait3A_42 = tpu.memref_squeeze %dma_wait3A_41 : memref<1x97x104xi32, #tpu.memory_space<hbm>> -> memref<97x104xi32, #tpu.memory_space<hbm>>
      %dma_wait3A_43 = arith.constant 0 : i32
      %dma_wait3A_44 = arith.constant 0 : i32
      %dma_wait3A_45 = tpu.memref_slice %arg4[%add3A, %dma_wait3A_43, %dma_wait3A_44] : memref<32x97x104xi32, #tpu.memory_space<hbm>> -> memref<1x97x104xi32, #tpu.memory_space<hbm>>
      %dma_wait3A_46 = tpu.memref_squeeze %dma_wait3A_45 : memref<1x97x104xi32, #tpu.memory_space<hbm>> -> memref<97x104xi32, #tpu.memory_space<hbm>>
      tpu.wait_dma2 semaphore(%run_scoped3A_30 : memref<!tpu.dma_semaphore, #tpu.memory_space<semaphore_mem>>) src(%dma_wait3A_46 : memref<97x104xi32, #tpu.memory_space<hbm>>) dst(%arg8 : memref<97x104xi32, #tpu.memory_space<vmem>>)
      tpu.yield
    }) : () -> ()
    %mul3A_1 = arith.constant 632 : i32
    %mul3A_2 = arith.muli %arg1, %mul3A_1 : i32
    %multiple_of3A = tpu.assume_multiple %mul3A_2, 8 : i32
    "tpu.region"() ({
      %run_scoped3A_30 = tpu.sem_alloc : memref<!tpu.dma_semaphore, #tpu.memory_space<semaphore_mem>>
      %dma_start3A_31 = arith.constant 0 : i32
      %dma_start3A_32 = tpu.memref_slice %arg10[%multiple_of3A, %dma_start3A_31] : memref<10112x128xf32, #tpu.memory_space<vmem_shared>> -> memref<632x128xf32, #tpu.memory_space<vmem_shared>>
      %dma_start3A_33 = arith.constant 0 : i32
      %dma_start3A_34 = tpu.memref_slice %arg5[%multiple_of3A, %dma_start3A_33] : memref<10112x128xf32, #tpu.memory_space<hbm>> -> memref<632x128xf32, #tpu.memory_space<hbm>>
      tpu.enqueue_dma source(%dma_start3A_34 : memref<632x128xf32, #tpu.memory_space<hbm>>) target(%dma_start3A_32 : memref<632x128xf32, #tpu.memory_space<vmem_shared>>) target_semaphore(%run_scoped3A_30 : memref<!tpu.dma_semaphore, #tpu.memory_space<semaphore_mem>>)
      %dma_wait3A_35 = arith.constant 0 : i32
      %dma_wait3A_36 = tpu.memref_slice %arg10[%multiple_of3A, %dma_wait3A_35] : memref<10112x128xf32, #tpu.memory_space<vmem_shared>> -> memref<632x128xf32, #tpu.memory_space<vmem_shared>>
      %dma_wait3A_37 = arith.constant 0 : i32
      %dma_wait3A_38 = tpu.memref_slice %arg5[%multiple_of3A, %dma_wait3A_37] : memref<10112x128xf32, #tpu.memory_space<hbm>> -> memref<632x128xf32, #tpu.memory_space<hbm>>
      tpu.wait_dma2 semaphore(%run_scoped3A_30 : memref<!tpu.dma_semaphore, #tpu.memory_space<semaphore_mem>>) src(%dma_wait3A_38 : memref<632x128xf32, #tpu.memory_space<hbm>>) dst(%dma_wait3A_36 : memref<632x128xf32, #tpu.memory_space<vmem_shared>>)
      tpu.yield
    }) : () -> ()
    %barrier3A = arith.constant 0 : index
    tpu.barrier barrier_id(%barrier3A)
    %multiple_of3A_3 = arith.constant 0 : i32
    %multiple_of3A_4 = tpu.assume_multiple %multiple_of3A_3, 8 : i32
    %dma_start3A = arith.constant 0 : i32
    %dma_start3A_5 = arith.constant 0 : i32
    %dma_start3A_6 = arith.constant 0 : i32
    %dma_start3A_7 = tpu.memref_slice %arg9[%dma_start3A, %dma_start3A_5, %dma_start3A_6] : memref<2x104x128xf32, #tpu.memory_space<vmem>> -> memref<1x104x128xf32, #tpu.memory_space<vmem>>
    %dma_start3A_8 = tpu.memref_squeeze %dma_start3A_7 : memref<1x104x128xf32, #tpu.memory_space<vmem>> -> memref<104x128xf32, #tpu.memory_space<vmem>>
    %dma_start3A_9 = tpu.memref_slice %arg7[%multiple_of3A_4] : memref<10088xi32, #tpu.memory_space<vmem>> -> memref<104xi32, #tpu.memory_space<vmem>>
    %dma_start3A_10 = arith.constant 0 : i32
    %dma_start3A_11 = arith.constant 0 : i32
    %dma_start3A_12 = tpu.memref_slice %arg2[%dma_start3A_10, %dma_start3A_11] : memref<10000x128xf32, #tpu.memory_space<hbm>> -> memref<10000x128xf32, #tpu.memory_space<hbm>>
    tpu.enqueue_indirect_dma source(%dma_start3A_12 : memref<10000x128xf32, #tpu.memory_space<hbm>>) target(%dma_start3A_8 : memref<104x128xf32, #tpu.memory_space<vmem>>) offsets(%dma_start3A_9 : memref<104xi32, #tpu.memory_space<vmem>>) semaphore(%arg11 : memref<!tpu.dma_semaphore, #tpu.memory_space<semaphore_mem>>)
    %scan3A = arith.constant 0 : i32
    %scan3A_13 = arith.constant 0 : i32
    %scan3A_14 = arith.constant 96 : i32
    %scan3A_15 = arith.addi %scan3A_13, %scan3A_14 : i32
    %scan3A_16 = arith.constant 1 : i32
    scf.for %scan3A_30 = %scan3A_13 to %scan3A_15 step %scan3A_16  : i32 {
      %rem3A_31 = arith.constant 2 : i32
      %rem3A_32 = arith.remsi %scan3A_30, %rem3A_31 : i32
      %mul3A_33 = arith.constant 104 : i32
      %mul3A_34 = arith.muli %scan3A_30, %mul3A_33 : i32
      %multiple_of3A_35 = tpu.assume_multiple %mul3A_34, 8 : i32
      %dma_wait3A_36 = arith.constant 0 : i32
      %dma_wait3A_37 = arith.constant 0 : i32
      %dma_wait3A_38 = tpu.memref_slice %arg9[%rem3A_32, %dma_wait3A_36, %dma_wait3A_37] : memref<2x104x128xf32, #tpu.memory_space<vmem>> -> memref<1x104x128xf32, #tpu.memory_space<vmem>>
      %dma_wait3A_39 = tpu.memref_squeeze %dma_wait3A_38 : memref<1x104x128xf32, #tpu.memory_space<vmem>> -> memref<104x128xf32, #tpu.memory_space<vmem>>
      %dma_wait3A_40 = tpu.memref_slice %arg7[%multiple_of3A_35] : memref<10088xi32, #tpu.memory_space<vmem>> -> memref<104xi32, #tpu.memory_space<vmem>>
      %dma_wait3A_41 = arith.constant 0 : i32
      %dma_wait3A_42 = arith.constant 0 : i32
      %dma_wait3A_43 = tpu.memref_slice %arg2[%dma_wait3A_41, %dma_wait3A_42] : memref<10000x128xf32, #tpu.memory_space<hbm>> -> memref<10000x128xf32, #tpu.memory_space<hbm>>
      tpu.wait_indirect_dma semaphore(%arg11 : memref<!tpu.dma_semaphore, #tpu.memory_space<semaphore_mem>>) src(%dma_wait3A_43 : memref<10000x128xf32, #tpu.memory_space<hbm>>) dst(%dma_wait3A_39 : memref<104x128xf32, #tpu.memory_space<vmem>>)
      %add3A_44 = arith.constant 1 : i32
      %add3A_45 = arith.addi %scan3A_30, %add3A_44 : i32
      %sub3A = arith.constant 1 : i32
      %sub3A_46 = arith.subi %sub3A, %rem3A_32 : i32
      %mul3A_47 = arith.constant 104 : i32
      %mul3A_48 = arith.muli %add3A_45, %mul3A_47 : i32
      %multiple_of3A_49 = tpu.assume_multiple %mul3A_48, 8 : i32
      %dma_start3A_50 = arith.constant 0 : i32
      %dma_start3A_51 = arith.constant 0 : i32
      %dma_start3A_52 = tpu.memref_slice %arg9[%sub3A_46, %dma_start3A_50, %dma_start3A_51] : memref<2x104x128xf32, #tpu.memory_space<vmem>> -> memref<1x104x128xf32, #tpu.memory_space<vmem>>
      %dma_start3A_53 = tpu.memref_squeeze %dma_start3A_52 : memref<1x104x128xf32, #tpu.memory_space<vmem>> -> memref<104x128xf32, #tpu.memory_space<vmem>>
      %dma_start3A_54 = tpu.memref_slice %arg7[%multiple_of3A_49] : memref<10088xi32, #tpu.memory_space<vmem>> -> memref<104xi32, #tpu.memory_space<vmem>>
      %dma_start3A_55 = arith.constant 0 : i32
      %dma_start3A_56 = arith.constant 0 : i32
      %dma_start3A_57 = tpu.memref_slice %arg2[%dma_start3A_55, %dma_start3A_56] : memref<10000x128xf32, #tpu.memory_space<hbm>> -> memref<10000x128xf32, #tpu.memory_space<hbm>>
      tpu.enqueue_indirect_dma source(%dma_start3A_57 : memref<10000x128xf32, #tpu.memory_space<hbm>>) target(%dma_start3A_53 : memref<104x128xf32, #tpu.memory_space<vmem>>) offsets(%dma_start3A_54 : memref<104xi32, #tpu.memory_space<vmem>>) semaphore(%arg11 : memref<!tpu.dma_semaphore, #tpu.memory_space<semaphore_mem>>)
      "tpu.region"() ({
        %run_scoped3A_58 = tpu.sem_alloc : memref<!tpu.dma_semaphore, #tpu.memory_space<semaphore_mem>>
        %dma_start3A_59 = arith.constant 0 : i32
        %dma_start3A_60 = arith.constant 0 : i32
        %dma_start3A_61 = tpu.memref_slice %arg9[%rem3A_32, %dma_start3A_59, %dma_start3A_60] : memref<2x104x128xf32, #tpu.memory_space<vmem>> -> memref<1x104x128xf32, #tpu.memory_space<vmem>>
        %dma_start3A_62 = tpu.memref_squeeze %dma_start3A_61 : memref<1x104x128xf32, #tpu.memory_space<vmem>> -> memref<104x128xf32, #tpu.memory_space<vmem>>
        %dma_start3A_63 = arith.constant 0 : i32
        %dma_start3A_64 = tpu.memref_slice %arg8[%scan3A_30, %dma_start3A_63] : memref<97x104xi32, #tpu.memory_space<vmem>> -> memref<1x104xi32, #tpu.memory_space<vmem>>
        %dma_start3A_65 = tpu.memref_squeeze %dma_start3A_64 : memref<1x104xi32, #tpu.memory_space<vmem>> -> memref<104xi32, #tpu.memory_space<vmem>>
        %dma_start3A_66 = arith.constant 0 : i32
        %dma_start3A_67 = arith.constant 0 : i32
        %dma_start3A_68 = tpu.memref_slice %arg10[%dma_start3A_66, %dma_start3A_67] : memref<10112x128xf32, #tpu.memory_space<vmem_shared>> -> memref<10112x128xf32, #tpu.memory_space<vmem_shared>>
        tpu.enqueue_indirect_dma source(%dma_start3A_62 : memref<104x128xf32, #tpu.memory_space<vmem>>) target(%dma_start3A_68 : memref<10112x128xf32, #tpu.memory_space<vmem_shared>>) offsets(%dma_start3A_65 : memref<104xi32, #tpu.memory_space<vmem>>) semaphore(%run_scoped3A_58 : memref<!tpu.dma_semaphore, #tpu.memory_space<semaphore_mem>>) {add = true}
        %dma_wait3A_69 = arith.constant 0 : i32
        %dma_wait3A_70 = arith.constant 0 : i32
        %dma_wait3A_71 = tpu.memref_slice %arg9[%rem3A_32, %dma_wait3A_69, %dma_wait3A_70] : memref<2x104x128xf32, #tpu.memory_space<vmem>> -> memref<1x104x128xf32, #tpu.memory_space<vmem>>
        %dma_wait3A_72 = tpu.memref_squeeze %dma_wait3A_71 : memref<1x104x128xf32, #tpu.memory_space<vmem>> -> memref<104x128xf32, #tpu.memory_space<vmem>>
        %dma_wait3A_73 = arith.constant 0 : i32
        %dma_wait3A_74 = tpu.memref_slice %arg8[%scan3A_30, %dma_wait3A_73] : memref<97x104xi32, #tpu.memory_space<vmem>> -> memref<1x104xi32, #tpu.memory_space<vmem>>
        %dma_wait3A_75 = tpu.memref_squeeze %dma_wait3A_74 : memref<1x104xi32, #tpu.memory_space<vmem>> -> memref<104xi32, #tpu.memory_space<vmem>>
        %dma_wait3A_76 = arith.constant 0 : i32
        %dma_wait3A_77 = arith.constant 0 : i32
        %dma_wait3A_78 = tpu.memref_slice %arg10[%dma_wait3A_76, %dma_wait3A_77] : memref<10112x128xf32, #tpu.memory_space<vmem_shared>> -> memref<10112x128xf32, #tpu.memory_space<vmem_shared>>
        tpu.wait_indirect_dma semaphore(%run_scoped3A_58 : memref<!tpu.dma_semaphore, #tpu.memory_space<semaphore_mem>>) src(%dma_wait3A_72 : memref<104x128xf32, #tpu.memory_space<vmem>>) dst(%dma_wait3A_78 : memref<10112x128xf32, #tpu.memory_space<vmem_shared>>)
        tpu.yield
      }) : () -> ()
    }
    %scan3A_17 = arith.constant 96 : i32
    %rem3A = arith.constant 96 : i32
    %rem3A_18 = arith.constant 2 : i32
    %rem3A_19 = arith.remsi %rem3A, %rem3A_18 : i32
    %multiple_of3A_20 = arith.constant 9984 : i32
    %multiple_of3A_21 = tpu.assume_multiple %multiple_of3A_20, 8 : i32
    %dma_wait3A = arith.constant 0 : i32
    %dma_wait3A_22 = arith.constant 0 : i32
    %dma_wait3A_23 = tpu.memref_slice %arg9[%rem3A_19, %dma_wait3A, %dma_wait3A_22] : memref<2x104x128xf32, #tpu.memory_space<vmem>> -> memref<1x104x128xf32, #tpu.memory_space<vmem>>
    %dma_wait3A_24 = tpu.memref_squeeze %dma_wait3A_23 : memref<1x104x128xf32, #tpu.memory_space<vmem>> -> memref<104x128xf32, #tpu.memory_space<vmem>>
    %dma_wait3A_25 = tpu.memref_slice %arg7[%multiple_of3A_21] : memref<10088xi32, #tpu.memory_space<vmem>> -> memref<104xi32, #tpu.memory_space<vmem>>
    %dma_wait3A_26 = arith.constant 0 : i32
    %dma_wait3A_27 = arith.constant 0 : i32
    %dma_wait3A_28 = tpu.memref_slice %arg2[%dma_wait3A_26, %dma_wait3A_27] : memref<10000x128xf32, #tpu.memory_space<hbm>> -> memref<10000x128xf32, #tpu.memory_space<hbm>>
    tpu.wait_indirect_dma semaphore(%arg11 : memref<!tpu.dma_semaphore, #tpu.memory_space<semaphore_mem>>) src(%dma_wait3A_28 : memref<10000x128xf32, #tpu.memory_space<hbm>>) dst(%dma_wait3A_24 : memref<104x128xf32, #tpu.memory_space<vmem>>)
    %run_scoped3A = arith.constant 96 : i32
    "tpu.region"() ({
      %run_scoped3A_30 = tpu.sem_alloc : memref<!tpu.dma_semaphore, #tpu.memory_space<semaphore_mem>>
      %dma_start3A_31 = arith.constant 0 : i32
      %dma_start3A_32 = arith.constant 0 : i32
      %dma_start3A_33 = tpu.memref_slice %arg9[%rem3A_19, %dma_start3A_31, %dma_start3A_32] : memref<2x104x128xf32, #tpu.memory_space<vmem>> -> memref<1x104x128xf32, #tpu.memory_space<vmem>>
      %dma_start3A_34 = tpu.memref_squeeze %dma_start3A_33 : memref<1x104x128xf32, #tpu.memory_space<vmem>> -> memref<104x128xf32, #tpu.memory_space<vmem>>
      %dma_start3A_35 = arith.constant 0 : i32
      %dma_start3A_36 = tpu.memref_slice %arg8[%run_scoped3A, %dma_start3A_35] : memref<97x104xi32, #tpu.memory_space<vmem>> -> memref<1x104xi32, #tpu.memory_space<vmem>>
      %dma_start3A_37 = tpu.memref_squeeze %dma_start3A_36 : memref<1x104xi32, #tpu.memory_space<vmem>> -> memref<104xi32, #tpu.memory_space<vmem>>
      %dma_start3A_38 = arith.constant 0 : i32
      %dma_start3A_39 = arith.constant 0 : i32
      %dma_start3A_40 = tpu.memref_slice %arg10[%dma_start3A_38, %dma_start3A_39] : memref<10112x128xf32, #tpu.memory_space<vmem_shared>> -> memref<10112x128xf32, #tpu.memory_space<vmem_shared>>
      tpu.enqueue_indirect_dma source(%dma_start3A_34 : memref<104x128xf32, #tpu.memory_space<vmem>>) target(%dma_start3A_40 : memref<10112x128xf32, #tpu.memory_space<vmem_shared>>) offsets(%dma_start3A_37 : memref<104xi32, #tpu.memory_space<vmem>>) semaphore(%run_scoped3A_30 : memref<!tpu.dma_semaphore, #tpu.memory_space<semaphore_mem>>) {add = true}
      %dma_wait3A_41 = arith.constant 0 : i32
      %dma_wait3A_42 = arith.constant 0 : i32
      %dma_wait3A_43 = tpu.memref_slice %arg9[%rem3A_19, %dma_wait3A_41, %dma_wait3A_42] : memref<2x104x128xf32, #tpu.memory_space<vmem>> -> memref<1x104x128xf32, #tpu.memory_space<vmem>>
      %dma_wait3A_44 = tpu.memref_squeeze %dma_wait3A_43 : memref<1x104x128xf32, #tpu.memory_space<vmem>> -> memref<104x128xf32, #tpu.memory_space<vmem>>
      %dma_wait3A_45 = arith.constant 0 : i32
      %dma_wait3A_46 = tpu.memref_slice %arg8[%run_scoped3A, %dma_wait3A_45] : memref<97x104xi32, #tpu.memory_space<vmem>> -> memref<1x104xi32, #tpu.memory_space<vmem>>
      %dma_wait3A_47 = tpu.memref_squeeze %dma_wait3A_46 : memref<1x104xi32, #tpu.memory_space<vmem>> -> memref<104xi32, #tpu.memory_space<vmem>>
      %dma_wait3A_48 = arith.constant 0 : i32
      %dma_wait3A_49 = arith.constant 0 : i32
      %dma_wait3A_50 = tpu.memref_slice %arg10[%dma_wait3A_48, %dma_wait3A_49] : memref<10112x128xf32, #tpu.memory_space<vmem_shared>> -> memref<10112x128xf32, #tpu.memory_space<vmem_shared>>
      tpu.wait_indirect_dma semaphore(%run_scoped3A_30 : memref<!tpu.dma_semaphore, #tpu.memory_space<semaphore_mem>>) src(%dma_wait3A_44 : memref<104x128xf32, #tpu.memory_space<vmem>>) dst(%dma_wait3A_50 : memref<10112x128xf32, #tpu.memory_space<vmem_shared>>)
      tpu.yield
    }) : () -> ()
    %barrier3A_29 = arith.constant 0 : index
    tpu.barrier barrier_id(%barrier3A_29)
    "tpu.region"() ({
      %run_scoped3A_30 = tpu.sem_alloc : memref<!tpu.dma_semaphore, #tpu.memory_space<semaphore_mem>>
      %dma_start3A_31 = arith.constant 0 : i32
      %dma_start3A_32 = tpu.memref_slice %arg6[%arg0, %multiple_of3A, %dma_start3A_31] : memref<2x10112x128xf32, #tpu.memory_space<hbm>> -> memref<1x632x128xf32, #tpu.memory_space<hbm>>
      %dma_start3A_33 = tpu.memref_squeeze %dma_start3A_32 : memref<1x632x128xf32, #tpu.memory_space<hbm>> -> memref<632x128xf32, #tpu.memory_space<hbm>>
      %dma_start3A_34 = arith.constant 0 : i32
      %dma_start3A_35 = tpu.memref_slice %arg10[%multiple_of3A, %dma_start3A_34] : memref<10112x128xf32, #tpu.memory_space<vmem_shared>> -> memref<632x128xf32, #tpu.memory_space<vmem_shared>>
      tpu.enqueue_dma source(%dma_start3A_35 : memref<632x128xf32, #tpu.memory_space<vmem_shared>>) target(%dma_start3A_33 : memref<632x128xf32, #tpu.memory_space<hbm>>) target_semaphore(%run_scoped3A_30 : memref<!tpu.dma_semaphore, #tpu.memory_space<semaphore_mem>>)
      %dma_wait3A_36 = arith.constant 0 : i32
      %dma_wait3A_37 = tpu.memref_slice %arg6[%arg0, %multiple_of3A, %dma_wait3A_36] : memref<2x10112x128xf32, #tpu.memory_space<hbm>> -> memref<1x632x128xf32, #tpu.memory_space<hbm>>
      %dma_wait3A_38 = tpu.memref_squeeze %dma_wait3A_37 : memref<1x632x128xf32, #tpu.memory_space<hbm>> -> memref<632x128xf32, #tpu.memory_space<hbm>>
      %dma_wait3A_39 = arith.constant 0 : i32
      %dma_wait3A_40 = tpu.memref_slice %arg10[%multiple_of3A, %dma_wait3A_39] : memref<10112x128xf32, #tpu.memory_space<vmem_shared>> -> memref<632x128xf32, #tpu.memory_space<vmem_shared>>
      tpu.wait_dma2 semaphore(%run_scoped3A_30 : memref<!tpu.dma_semaphore, #tpu.memory_space<semaphore_mem>>) src(%dma_wait3A_40 : memref<632x128xf32, #tpu.memory_space<vmem_shared>>) dst(%dma_wait3A_38 : memref<632x128xf32, #tpu.memory_space<hbm>>)
      tpu.yield
    }) : () -> ()
    return
  }
}

module attributes {stable_mosaic.version = 14 : i64} {
  func.func @_scale_body(%arg0: i32, %arg1: memref<2000x128xf32, #tpu.memory_space<vmem>>, %arg2: memref<2x2000x128xf32, #tpu.memory_space<vmem>>, %arg3: memref<2000x128xf32, #tpu.memory_space<vmem>>) attributes {dimension_semantics = [#tpu.dimension_semantics<arbitrary>], iteration_bounds = array<i64: 5>, scalar_prefetch = 0 : i64, scratch_operands = 0 : i64, tpu.core_type = #tpu.core_type<tc>, window_params = [{transform_indices = @transform_0, window_bounds = array<i64: 2000, 128>}, {transform_indices = @transform_1, window_bounds = array<i64: 2, 2000, 128>}, {transform_indices = @transform_2, window_bounds = array<i64: 2000, 128>}]} {
    %get3A = arith.constant 0 : index
    %get3A_0 = arith.constant 0 : index
    %get3A_1 = arith.constant 0 : index
    %get3A_2 = vector.load %arg2[%get3A, %get3A_0, %get3A_1] : memref<2x2000x128xf32, #tpu.memory_space<vmem>>, vector<1x2000x128xf32>
    %get3A_3 = vector.shape_cast %get3A_2 : vector<1x2000x128xf32> to vector<2000x128xf32>
    %slice3A = vector.extract_strided_slice %get3A_3 {offsets = [0, 0], sizes = [2000, 1], strides = [1, 1]} : vector<2000x128xf32> to vector<2000x1xf32>
    %get3A_4 = arith.constant 1 : index
    %get3A_5 = arith.constant 0 : index
    %get3A_6 = arith.constant 0 : index
    %get3A_7 = vector.load %arg2[%get3A_4, %get3A_5, %get3A_6] : memref<2x2000x128xf32, #tpu.memory_space<vmem>>, vector<1x2000x128xf32>
    %get3A_8 = vector.shape_cast %get3A_7 : vector<1x2000x128xf32> to vector<2000x128xf32>
    %slice3A_9 = vector.extract_strided_slice %get3A_8 {offsets = [0, 0], sizes = [2000, 1], strides = [1, 1]} : vector<2000x128xf32> to vector<2000x1xf32>
    %add3A = arith.addf %slice3A, %slice3A_9 : vector<2000x1xf32>
    %add3A_10 = arith.constant 1.000000e+00 : f32
    %add3A_11 = vector.broadcast %add3A_10 : f32 to vector<2000x1xf32>
    %add3A_12 = arith.addf %add3A, %add3A_11 : vector<2000x1xf32>
    %rsqrt3A = math.rsqrt %add3A_12 : vector<2000x1xf32>
    %get3A_13 = arith.constant 0 : index
    %get3A_14 = arith.constant 0 : index
    %get3A_15 = vector.load %arg1[%get3A_13, %get3A_14] : memref<2000x128xf32, #tpu.memory_space<vmem>>, vector<2000x128xf32>
    %mul3A = vector.broadcast %rsqrt3A : vector<2000x1xf32> to vector<2000x128xf32>
    %mul3A_16 = arith.mulf %get3A_15, %mul3A : vector<2000x128xf32>
    %swap3A = arith.constant 0 : index
    %swap3A_17 = arith.constant 0 : index
    %swap3A_18 = vector.load %arg3[%swap3A, %swap3A_17] : memref<2000x128xf32, #tpu.memory_space<vmem>>, vector<2000x128xf32>
    tpu.vector_store %arg3[%swap3A, %swap3A_17], %mul3A_16 {strides = array<i32>} : memref<2000x128xf32, #tpu.memory_space<vmem>>, vector<2000x128xf32>,
    return
  }
  func.func @transform_0(%arg0: i32) -> (i32, i32) {
    %c0_i32 = arith.constant 0 : i32
    %c0_i32_0 = arith.constant 0 : i32
    return %arg0, %c0_i32 : i32, i32
  }
  func.func @transform_1(%arg0: i32) -> (i32, i32, i32) {
    %c0_i32 = arith.constant 0 : i32
    %c0_i32_0 = arith.constant 0 : i32
    %c0_i32_1 = arith.constant 0 : i32
    return %c0_i32, %arg0, %c0_i32_0 : i32, i32, i32
  }
  func.func @transform_2(%arg0: i32) -> (i32, i32) {
    %c0_i32 = arith.constant 0 : i32
    %c0_i32_0 = arith.constant 0 : i32
    return %arg0, %c0_i32 : i32, i32
  }
}

module attributes {stable_mosaic.version = 14 : i64} {
  func.func @_combine_body(%arg0: i32, %arg1: memref<2x2000x128xf32, #tpu.memory_space<vmem>>, %arg2: memref<2x2000x128xf32, #tpu.memory_space<vmem>>, %arg3: memref<2000x128xf32, #tpu.memory_space<vmem>>, %arg4: memref<128x128xf32, #tpu.memory_space<vmem>>, %arg5: memref<1x128xf32, #tpu.memory_space<vmem>>, %arg6: memref<2000x128xf32, #tpu.memory_space<vmem>>) attributes {dimension_semantics = [#tpu.dimension_semantics<arbitrary>], iteration_bounds = array<i64: 5>, scalar_prefetch = 0 : i64, scratch_operands = 0 : i64, tpu.core_type = #tpu.core_type<tc>, window_params = [{transform_indices = @transform_0, window_bounds = array<i64: 2, 2000, 128>}, {transform_indices = @transform_1, window_bounds = array<i64: 2, 2000, 128>}, {transform_indices = @transform_2, window_bounds = array<i64: 2000, 128>}, {pipeline_mode = #tpu.pipeline_mode<synchronous>, transform_indices = @transform_3, window_bounds = array<i64: 128, 128>}, {pipeline_mode = #tpu.pipeline_mode<synchronous>, transform_indices = @transform_4, window_bounds = array<i64: 1, 128>}, {transform_indices = @transform_5, window_bounds = array<i64: 2000, 128>}]} {
    %get3A = arith.constant 0 : index
    %get3A_0 = arith.constant 0 : index
    %get3A_1 = arith.constant 0 : index
    %get3A_2 = vector.load %arg2[%get3A, %get3A_0, %get3A_1] : memref<2x2000x128xf32, #tpu.memory_space<vmem>>, vector<1x2000x128xf32>
    %get3A_3 = vector.shape_cast %get3A_2 : vector<1x2000x128xf32> to vector<2000x128xf32>
    %slice3A = vector.extract_strided_slice %get3A_3 {offsets = [0, 0], sizes = [2000, 1], strides = [1, 1]} : vector<2000x128xf32> to vector<2000x1xf32>
    %get3A_4 = arith.constant 1 : index
    %get3A_5 = arith.constant 0 : index
    %get3A_6 = arith.constant 0 : index
    %get3A_7 = vector.load %arg2[%get3A_4, %get3A_5, %get3A_6] : memref<2x2000x128xf32, #tpu.memory_space<vmem>>, vector<1x2000x128xf32>
    %get3A_8 = vector.shape_cast %get3A_7 : vector<1x2000x128xf32> to vector<2000x128xf32>
    %slice3A_9 = vector.extract_strided_slice %get3A_8 {offsets = [0, 0], sizes = [2000, 1], strides = [1, 1]} : vector<2000x128xf32> to vector<2000x1xf32>
    %add3A = arith.addf %slice3A, %slice3A_9 : vector<2000x1xf32>
    %add3A_10 = arith.constant 1.000000e+00 : f32
    %add3A_11 = vector.broadcast %add3A_10 : f32 to vector<2000x1xf32>
    %add3A_12 = arith.addf %add3A, %add3A_11 : vector<2000x1xf32>
    %rsqrt3A = math.rsqrt %add3A_12 : vector<2000x1xf32>
    %get3A_13 = arith.constant 0 : index
    %get3A_14 = arith.constant 0 : index
    %get3A_15 = arith.constant 0 : index
    %get3A_16 = vector.load %arg1[%get3A_13, %get3A_14, %get3A_15] : memref<2x2000x128xf32, #tpu.memory_space<vmem>>, vector<1x2000x128xf32>
    %get3A_17 = vector.shape_cast %get3A_16 : vector<1x2000x128xf32> to vector<2000x128xf32>
    %get3A_18 = arith.constant 1 : index
    %get3A_19 = arith.constant 0 : index
    %get3A_20 = arith.constant 0 : index
    %get3A_21 = vector.load %arg1[%get3A_18, %get3A_19, %get3A_20] : memref<2x2000x128xf32, #tpu.memory_space<vmem>>, vector<1x2000x128xf32>
    %get3A_22 = vector.shape_cast %get3A_21 : vector<1x2000x128xf32> to vector<2000x128xf32>
    %add3A_23 = arith.addf %get3A_17, %get3A_22 : vector<2000x128xf32>
    %get3A_24 = arith.constant 0 : index
    %get3A_25 = arith.constant 0 : index
    %get3A_26 = vector.load %arg3[%get3A_24, %get3A_25] : memref<2000x128xf32, #tpu.memory_space<vmem>>, vector<2000x128xf32>
    %add3A_27 = arith.addf %add3A_23, %get3A_26 : vector<2000x128xf32>
    %mul3A = vector.broadcast %rsqrt3A : vector<2000x1xf32> to vector<2000x128xf32>
    %mul3A_28 = arith.mulf %mul3A, %add3A_27 : vector<2000x128xf32>
    %get3A_29 = arith.constant 0 : index
    %get3A_30 = arith.constant 0 : index
    %get3A_31 = vector.load %arg4[%get3A_29, %get3A_30] : memref<128x128xf32, #tpu.memory_space<vmem>>, vector<128x128xf32>
    %dot_general3A = arith.constant dense<0.000000e+00> : vector<2000x128xf32>
    %dot_general3A_32 = tpu.matmul %mul3A_28, %get3A_31, %dot_general3A {dimension_numbers = #tpu.dot_dimension_numbers<[1], [0], [0], [1], [0, 0, 1, 1], [], []>, transpose_lhs_hint = false} : vector<2000x128xf32>, vector<128x128xf32>, vector<2000x128xf32> -> vector<2000x128xf32>
    %get3A_33 = arith.constant 0 : index
    %get3A_34 = arith.constant 0 : index
    %get3A_35 = vector.load %arg5[%get3A_33, %get3A_34] : memref<1x128xf32, #tpu.memory_space<vmem>>, vector<1x128xf32>
    %add3A_36 = vector.broadcast %get3A_35 : vector<1x128xf32> to vector<2000x128xf32>
    %add3A_37 = arith.addf %dot_general3A_32, %add3A_36 : vector<2000x128xf32>
    %swap3A = arith.constant 0 : index
    %swap3A_38 = arith.constant 0 : index
    %swap3A_39 = vector.load %arg6[%swap3A, %swap3A_38] : memref<2000x128xf32, #tpu.memory_space<vmem>>, vector<2000x128xf32>
    tpu.vector_store %arg6[%swap3A, %swap3A_38], %add3A_37 {strides = array<i32>} : memref<2000x128xf32, #tpu.memory_space<vmem>>, vector<2000x128xf32>,
    return
  }
  func.func @transform_0(%arg0: i32) -> (i32, i32, i32) {
    %c0_i32 = arith.constant 0 : i32
    %c0_i32_0 = arith.constant 0 : i32
    %c0_i32_1 = arith.constant 0 : i32
    return %c0_i32, %arg0, %c0_i32_0 : i32, i32, i32
  }
  func.func @transform_1(%arg0: i32) -> (i32, i32, i32) {
    %c0_i32 = arith.constant 0 : i32
    %c0_i32_0 = arith.constant 0 : i32
    %c0_i32_1 = arith.constant 0 : i32
    return %c0_i32, %arg0, %c0_i32_0 : i32, i32, i32
  }
  func.func @transform_2(%arg0: i32) -> (i32, i32) {
    %c0_i32 = arith.constant 0 : i32
    %c0_i32_0 = arith.constant 0 : i32
    return %arg0, %c0_i32 : i32, i32
  }
  func.func @transform_3(%arg0: i32) -> (i32, i32) {
    %c0_i32 = arith.constant 0 : i32
    %c0_i32_0 = arith.constant 0 : i32
    %c0_i32_1 = arith.constant 0 : i32
    return %c0_i32, %c0_i32_0 : i32, i32
  }
  func.func @transform_4(%arg0: i32) -> (i32, i32) {
    %c0_i32 = arith.constant 0 : i32
    %c0_i32_0 = arith.constant 0 : i32
    %c0_i32_1 = arith.constant 0 : i32
    return %c0_i32, %c0_i32_0 : i32, i32
  }
  func.func @transform_5(%arg0: i32) -> (i32, i32) {
    %c0_i32 = arith.constant 0 : i32
    %c0_i32_0 = arith.constant 0 : i32
    return %arg0, %c0_i32 : i32, i32
  }
}

</mosaic_0001>

<sc_bundles>
// kernel: kernel.6.cloned.1.call-start
scs
__scs_entry_jumppad:
0x0: {  	(pc) =	sbr.rel $0x88, $3  }
0x1: {  	(tag) =	ssettag $0x0;
	lr =	simm.s32 $0x1  }
0x2: {  	[smem:$0x3F9D] =	sst lr;
	_ =	strace $0xD0000000  }
0x3: {  	_ = 	snop  }
0x4: {  	_ = 	snop  }
0x5: {  	_ = 	snop  }
0x6: {  	_ = 	snop  }
0x7: {  	_ = 	snop  }
__scs_overlays_trampoline_lowered:
0x8: {  	[smem:$0x3FAC] =	sst s0  }
0x9: {  	[smem:$0x3FAD] =	sst s1  }
0xa: {  	[smem:$0x3FAE] =	sst s2  }
0xb: {  	[smem:$0x3FAF] =	sst s3  }
0xc: {  	[smem:$0x3FB0] =	sst s4  }
0xd: {  	[smem:$0x3FB1] =	sst s5  }
0xe: {  	[smem:$0x3FB2] =	sst s6  }
0xf: {  	[smem:$0x3FB3] =	sst s7  }
0x10: {  	[smem:$0x3FB4] =	sst s8  }
0x11: {  	[smem:$0x3FB5] =	sst s9;
	s0 =	simm.s32 @!p0 $0x0  }
0x12: {  	s1 =	sld [smem:$0x3F9B];
	s0 =	simm.s32 @p0 $0x1  }
0x13: {  	[smem:$0x3FB6] =	sst s0;
	s0 =	simm.s32 @!p1 $0x0  }
0x14: {  	s2 =	sld [smem:$0x3F9A];
	s0 =	simm.s32 @p1 $0x1  }
0x15: {  	[smem:$0x3FB7] =	sst s0;
	s0 =	simm.s32 @!p2 $0x0  }
0x16: {  	s3 =	sld [smem:$0x3FDB];
	s0 =	simm.s32 @p2 $0x1  }
0x17: {  	s4 =	simm.s32 $0x1BF5;
	[smem:$0x3FB9] =	sst s0  }
0x18: {  	s0 =	sld [smem:$0x3F9C];
	_ =	swait.ge [sflag:s4], $0x0  }
0x19: {  	s7 =	sld [smem:$0x3F9D]  }
0x1a: {  	s8 =	sadd.s32 $0xFFFFE003, lr  }
0x1b: {  	s9 =	sadd.s32 $0xFFFFFEF7, lr;
	s5 =	simm.s32 $0xFFFFFFFF;
	p2 =	slt.u32 s8, $0xFFFFF086  }
0x1c: {  	p1 =	slt.u32 s9, $0xF7A;
	s5 =	simm.s32 @!p2 $0x0  }
0x1d: {  	s5 =	simm.s32 @p1 $0x1;
	p0 =	seq.s32 s7, s2  }
0x1e: {  	s7 =	smul.u32 @!p0 $0xF7A, s2;
	p2 =	seq.s32 @!p0 s5, $0x0  }
0x1f: {  	s9 =	smul.u32 $0xF7A, s1;
	s8 =	simm.s32 @!p0 $0x1BF5;
	p2 =	por !p2, p0  }
0x20: {  	[sflag:s8] =	ssyncset.s32 @!p0 $0xFFFFF086;
	s6 =	sadd.s32 @!p0 s3, s7;
	s7 =	simm.s32 @!p0 $0x108  }
0x21: {  	s3 =	sadd.s32 s3, s9;
	s6 =	sadd.s32 @!p0 $0x88, s6;
	s7 =	simm.s32 @p2 $0x1082  }
0x22: {  	[simem:s7], [sflag:s8] =	dma.local @!p0 [hbm:s6], $0xF7A  }
0x23: {  	s9 =	sor.u32 $0xD0000000, s2;
	s6 =	simm.s32 $0x108;
	_ =	swait.ge @!p0 [sflag:s8], $0x0  }
0x24: {  	s3 =	sadd.s32 $0x88, s3;
	s6 =	simm.s32 @!p1 $0x1082;
	[sflag:s4] =	ssyncset.s32 $0xFFFFF086  }
0x25: {  	[simem:s6], [sflag:s4] =	dma.local [hbm:s3], $0xF7A  }
0x26: {  	[smem:$0x3F9D] =	sst s1;
	(tag) =	ssettag s2;
	_ =	strace s9  }
0x27: {  	s1 =	sld [smem:$0x3FAD]  }
0x28: {  	s2 =	sld [smem:$0x3FAE]  }
0x29: {  	s4 =	sld [smem:$0x3FB0]  }
0x2a: {  	p0 =	seq.s32 s5, $0x0;
	s5 =	sld [smem:$0x3FB1]  }
0x2b: {  	s6 =	sld [smem:$0x3FB2]  }
0x2c: {  	s7 =	sld [smem:$0x3FB3]  }
0x2d: {  	s3 =	simm.s32 $0x108;
	s8 =	sld [smem:$0x3FB4]  }
0x2e: {  	s3 =	simm.s32 @!p0 $0x1082;
	s9 =	sld [smem:$0x3FB5]  }
0x2f: {  	lr =	sadd.s32 s0, s3;
	s0 =	sld [smem:$0x3FAC]  }
0x30: {  	s3 =	sld [smem:$0x3FAF]  }
0x31: {  	[smem:$0x3FB8] =	sst s10  }
0x32: {  	s10 =	sld [smem:$0x3FB6];
	_ =	sdelay $0x3  }
0x33: {  	p0 =	seq.s32 s10, $0x1;
	s10 =	sld [smem:$0x3FB8];
	_ =	sdelay $0x3  }
0x34: {  	[smem:$0x3FB8] =	sst s10  }
0x35: {  	s10 =	sld [smem:$0x3FB7];
	_ =	sdelay $0x3  }
0x36: {  	p1 =	seq.s32 s10, $0x1;
	s10 =	sld [smem:$0x3FB8];
	_ =	sdelay $0x3  }
0x37: {  	[smem:$0x3FB8] =	sst s10  }
0x38: {  	s10 =	sld [smem:$0x3FB9]  }
0x39: {  	_ = 	snop;
	(pc) =	sbr.ind lr, $3  }
0x3a: {  	_ = 	snop  }
0x3b: {  	_ = 	snop  }
0x3c: {  	p2 =	seq.s32 s10, $0x1;
	s10 =	sld [smem:$0x3FB8]  }
0x3d: {  	_ =	shalt  }
0x3e: {  	_ =	shalt  }
0x3f: {  	_ =	shalt  }
0x40: {  	_ =	shalt  }
0x41: {  	_ =	shalt  }
0x42: {  	_ =	shalt  }
0x43: {  	_ =	shalt  }
0x44: {  	_ =	shalt  }
0x45: {  	_ =	shalt  }
0x46: {  	_ =	shalt  }
0x47: {  	_ =	shalt  }
0x48: {  	_ =	shalt  }
0x49: {  	_ =	shalt  }
0x4a: {  	_ =	shalt  }
0x4b: {  	_ =	shalt  }
0x4c: {  	_ =	shalt  }
0x4d: {  	_ =	shalt  }
0x4e: {  	_ =	shalt  }
0x4f: {  	_ =	shalt  }
0x50: {  	_ =	shalt  }
0x51: {  	_ =	shalt  }
0x52: {  	_ =	shalt  }
0x53: {  	_ =	shalt  }
0x54: {  	_ =	shalt  }
0x55: {  	_ =	shalt  }
0x56: {  	_ =	shalt  }
0x57: {  	_ =	shalt  }
0x58: {  	_ =	shalt  }
0x59: {  	_ =	shalt  }
0x5a: {  	_ =	shalt  }
0x5b: {  	_ =	shalt  }
0x5c: {  	_ =	shalt  }
0x5d: {  	_ =	shalt  }
0x5e: {  	_ =	shalt  }
0x5f: {  	_ =	shalt  }
0x60: {  	_ =	shalt  }
0x61: {  	_ =	shalt  }
0x62: {  	_ =	shalt  }
0x63: {  	_ =	shalt  }
0x64: {  	_ =	shalt  }
0x65: {  	_ =	shalt  }
0x66: {  	_ =	shalt  }
0x67: {  	_ =	shalt  }
0x68: {  	_ =	shalt  }
0x69: {  	_ =	shalt  }
0x6a: {  	_ =	shalt  }
0x6b: {  	_ =	shalt  }
0x6c: {  	_ =	shalt  }
0x6d: {  	_ =	shalt  }
0x6e: {  	_ =	shalt  }
0x6f: {  	_ =	shalt  }
0x70: {  	_ =	shalt  }
0x71: {  	_ =	shalt  }
0x72: {  	_ =	shalt  }
0x73: {  	_ =	shalt  }
0x74: {  	_ =	shalt  }
0x75: {  	_ =	shalt  }
0x76: {  	_ =	shalt  }
0x77: {  	_ =	shalt  }
0x78: {  	_ =	shalt  }
0x79: {  	_ =	shalt  }
0x7a: {  	_ =	shalt  }
0x7b: {  	_ =	shalt  }
0x7c: {  	_ =	shalt  }
0x7d: {  	_ =	shalt  }
0x7e: {  	_ =	shalt  }
0x7f: {  	_ =	shalt  }
0x80: {  	_ =	shalt  }
0x81: {  	_ =	shalt  }
0x82: {  	_ =	shalt  }
0x83: {  	_ =	shalt  }
0x84: {  	_ =	shalt  }
0x85: {  	_ =	shalt  }
0x86: {  	_ =	shalt  }
0x87: {  	_ =	shalt  }
.Lfunc_end0:
.L_simem_size_0:
called_computation_lowered:
.L_overlay_start_0:
0x88: {  	s2 =	sld [smem:$0x3FD9]  }
0x89: {  	s3 =	sld [smem:$0x3FFE];
	_ =	sdelay $0x1  }
0x8a: {  	s1 =	srdreg.scid  }
0x8b: {  	s0 =	sand.u32 $0x1, s1  }
0x8c: {  	s17 =	sshll.u32 s0, $0xA;
	s2 =	sadd.s32 s3, s2  }
0x8d: {  	s2 =	sadd.s32 s2, s17  }
0x8e: {  	[smem:$0x3FC4] =	sst s2  }
0x8f: {  	_ = 	snop  }
0x90: {  	s2 =	sld [smem:$0x3FD0];
	(tm) =	ssettm $0x1  }
0x91: {  	s18 =	sld [smem:$0x3FFB];
	_ =	sdelay $0x3  }
0x92: {  	_ =	strace s18  }
0x93: {  	s3 =	sld [smem:$0x3FFC];
	_ =	sdelay $0x3  }
0x94: {  	_ =	strace s3  }
0x95: {  	s3 =	sld [smem:$0x3FFD];
	_ =	sdelay $0x3  }
0x96: {  	_ =	strace s3  }
0x97: {  	_ =	strace $0x8FFFFFFF  }
0x98: {  	s19 =	sld [smem:$0x3FDB];
	_ =	sdelay $0x1  }
0x99: {  	s4 =	simm.s32 $_scs_section_size  }
0x9a: {  	s5 =	simm.s32 $_size__tile_overlayer_lowered;
	s6 =	simm.s32 $_tile_overlayer_lowered  }
0x9b: {  	s22 =	simm.s32 $0x1BFF;
	s21 =	sshll.u32 s6, $0x1;
	s3 =	sadd.s32 s4, s19  }
0x9c: {  	s7 =	simm.s32 $0x0;
	s20 =	sshll.u32 s5, $0x1;
	s5 =	sadd.s32 s21, s3  }
0x9d: {  	[timem:s7], [sflag:s22] =	dma.local [hbm:s5], s20  }
0x9e: {  	_ =	swait.ge [sflag:s22], s20  }
0x9f: {  	s4 =	ssub.s32 $0x0, s20;
	[sflag:s22] =	ssyncset.done $0x0  }
0xa0: {  	[sflag:s22] =	ssyncadd.s32 s4;
	_ =	sdelay $0x1  }
0xa1: {  	s23 =	simm.s32 $0x1B8B  }
0xa2: {  	_ =	swait.ge [sflag:s23], $0x1  }
0xa3: {  	[sflag:s23] =	ssyncset.done $0x0  }
0xa4: {  	s25 =	simm.s32 $0x1B8E;
	s24 =	sld [smem:$0x3FFE];
	[sflag:s23] =	ssyncadd.s32 $0xFFFFFFFF  }
0xa5: {  	s26 =	simm.s32 $execute0_lowered;
	[smem:$0x3FD2] =	sst s25  }
0xa6: {  	s5 =	sshll.u32 s26, $0x1;
	_ =	strace $0x80000046;
	[dreg:$0x1] =	wrdreg $0xFFFFFFFF  }
0xa7: {  	s28 =	simm.s32 $_size_execute0_lowered;
	s3 =	sadd.s32 s3, s5;
	[dreg:$0x0] =	wrdreg $0x0  }
0xa8: {  	s5 =	sshll.u32 s28, $0x1;
	[dreg:$0x2] =	wrdreg s3  }
0xa9: {  	[dreg:$0x3] =	wrdreg s5  }
0xaa: {  	[dreg:$0x4] =	wrdreg $0xC0  }
0xab: {  	_ =	task [dreg:s7], $0x5FFFF  }
0xac: {  	[dreg:$0x1] =	wrdreg $0xFFFFFFFF  }
0xad: {  	[dreg:$0x0] =	wrdreg $0x60  }
0xae: {  	[dreg:$0x2] =	wrdreg s24  }
0xaf: {  	[dreg:$0x3] =	wrdreg s2  }
0xb0: {  	[dreg:$0x4] =	wrdreg $0x68000  }
0xb1: {  	[dreg:$0x5] =	wrdreg $0x9  }
0xb2: {  	_ =	task.clear_ibuf [dreg:s7], $0x6FFFF;
	_ =	strace $0x90000046  }
0xb3: {  	s29 =	simm.s32 $0x9;
	_ =	strace $0x80000048  }
0xb4: {  	_ =	swait.ge [sflag:s29], $0x1  }
0xb5: {  	[sflag:s29] =	ssyncadd.s32 $0xFFFFFFFF  }
0xb6: {  	_ =	strace $0x90000048  }
0xb7: {  	_ =	sfence  }
0xb8: {  	s30 =	sld [smem:$0x0];
	_ =	sdelay $0x2  }
0xb9: {  	s31 =	sshll.u32 s1, $0xD;
	s1 =	sshrl.u32 s1, $0x2  }
0xba: {  	s3 =	sand.u32 $0x4000, s31;
	s1 =	sadd.s32 s1, s30  }
0xbb: {  	s0 =	sor.u32 s3, s0;
	s1 =	sshll.u32 s1, $0x11  }
0xbc: {  	s0 =	sor.u32 s1, s0  }
0xbd: {  	s0 =	sadd.s32 $0x8F2B, s0  }
0xbe: {  	[sflag:s0] =	ssyncadd.remote.s32 $0x1  }
0xbf: {  	_ =	sfence.sel $0xFFFF  }
0xc0: {  	[dreg:$0x0] =	wrdreg $0xFFFFFFFF;
	(pc) =	sbr.abs _section_cstart, $3  }
0xc1: {  	[dreg:$0x1] =	wrdreg $0xFFFFFFFF  }
0xc2: {  	_ =	task.clear_ibuf [dreg:s7], $0x2FFFF;
	_ =	strace $0x9FFFFFFF  }
0xc3: {  	(tm) =	ssettm $0x7FFFFFFF  }
tec
execute0_lowered:
.L_overlay_start_1:
0x0: {  	(tag) =	ssettag $0x1  }
0x1: {  	s6 =	rddreg [dreg:$0x0]  }
0x2: {  	s2 =	rddreg [dreg:$0x1]  }
0x3: {  	s0 =	srdreg.scid;
	s3 =	rddreg [dreg:$0x2];
	s4 =	simm.s32 $0x0  }
0x4: {  	s13 =	simm.s32 $0x68;
	s5 =	sand.u32 $0x1, s0;
	s0 =	stileid.u32  }
0x5: {  	s14 =	simm.s32 $0x0;
	[smem:$0x7FF] =	sst s4;
	s8 =	smul.u32 $0x13C00, s0  }
0x6: {  	s1 =	sshll.u32 s5, $0x4;
	s9 =	smul.u32 $0x13C000, s5;
	s5 =	ssub.s32 $0x2, s5  }
0x7: {  	s29 =	smul.u32 $0x4F000, s0;
	s31 =	sshll.u32 s0, $0x6;
	s1 =	sor.u32 s0, s1  }
0x8: {  	s11 =	sshrl.u32 s5, $0x1;
	s7 =	smul.u32 $0x680, s1;
	s1 =	rddreg [dreg:$0x3]  }
0x9: {  	_ =	strace $0x80000047;
	s10 =	sshrl.u32 s8, $0x3;
	s8 =	sadd.s32 s8, s9  }
0xa: {  	s11 =	ssub.s32 s5, s11;
	s30 =	sshrl.u32 s29, $0x2;
	s9 =	simm.s32 $0x1  }
0xb: {  	s10 =	sadd.s32 s10, s6;
	s8 =	sshrl.u32 s8, $0x3;
	s12 =	sadd.s32 s30, s3  }
0xc: {  	s7 =	sadd.s32 s7, s6;
	s8 =	sadd.s32 s8, s6;
	s6 =	sadd.s32 $0xE400, s10  }
0xd: {  	s10 =	simm.s32 $0x3400;
	s12 =	sshrl.u32 s12, $0x3;
	s5 =	sadd.s32 $0x1400, s7  }
0xe: {  	s7 =	sadd.s32 $0x35C00, s8;
	s8 =	smax.u32 s11, $0x1;
	s11 =	sor.u32 $0x1C01, s31  }
.LBB2_1:
0xf: {  	[tilespmem:s4], [sflag:$0x1] =	stream.linear.gather [hbm4b:s5+s4], $0x3080, $0x38;
	[tilespmem:$0x1A400] =	vst v63  }
0x10: {  	_ =	swait.ge [sflag:s9], $0x3080  }
0x11: {  	[sflag:s9] =	ssyncset.done $0x0  }
0x12: {  	[sflag:s9] =	ssyncadd.s32 $0xFFFFCF80  }
0x13: {  	[tilespmem:s10], [sflag:$0x1] =	stream.linear.gather [hbm4b:s2+s4], $0x3400, $0x38;
	[tilespmem:$0x1A400] =	vst v63  }
0x14: {  	_ =	swait.ge [sflag:s9], $0x3400  }
0x15: {  	[sflag:s9] =	ssyncset.done $0x0  }
0x16: {  	[sflag:s9] =	ssyncadd.s32 $0xFFFFCC00  }
0x17: {  	[spmem:s12], [sflag:s11] =	dma.local [hbm:s6], $0x2780  }
0x18: {  	_ =	swait.ge [sflag:s9], $0x2780  }
0x19: {  	[sflag:s9] =	ssyncset.done $0x0  }
0x1a: {  	[sflag:s9] =	ssyncadd.s32 $0xFFFFD880  }
0x1b: {  	s15 =	simm.s32 $0x0;
	[bflag:$0x0] =	sbarrier.arrive $0xFFFF  }
0x1c: {  	[spmem:s3] =	stream.indirect.scatter.add.f32 [tilespmem:s10], [sflag:$0x1], $0x80, s15, s13, $0xb8;
	[tilespmem:$0x1A400] =	vst v63  }
0x1d: {  	_ =	swait.ge [sflag:s9], $0x3400  }
0x1e: {  	s15 =	simm.s32 $0x200;
	[sflag:s9] =	ssyncset.done $0x0  }
.LBB2_2:
0x1f: {  	s16 =	sshra.s32 s15, $0x2;
	[sflag:s9] =	ssyncadd.s32 $0xFFFFCC00;
	p0 =	sne.s32 s15, $0xC000  }
0x20: {  	[spmem:s3] =	stream.indirect.scatter.add.f32 [tilespmem:s10], [sflag:$0x1], $0x80, s16, s13, $0xb8;
	[tilespmem:$0x1A400] =	vst v63  }
.Ltmp0:
0x21: {  	_ = 	snop;
	(pc) =	sbr.rel @p0 .LBB2_2-.Ltmp0, $4  }
0x22: {  	_ = 	snop  }
0x23: {  	s15 =	sadd.s32 $0x200, s15  }
0x24: {  	_ =	swait.ge [sflag:s9], $0x3400  }
0x25: {  	[sflag:s9] =	ssyncset.done $0x0  }
0x26: {  	s14 =	sadd.s32 $0x1, s14  }
0x27: {  	[sflag:s9] =	ssyncadd.s32 $0xFFFFCC00;
	p0 =	sne.s32 s14, s8  }
.Ltmp1:
0x28: {  	[bflag:$0x0] =	sbarrier.arrive $0xFFFF;
	(pc) =	sbr.rel @p0 .LBB2_1-.Ltmp1, $4  }
0x29: {  	[hbm:s7], [sflag:s11] =	dma.local [spmem:s12], $0x2780  }
0x2a: {  	_ =	swait.ge [sflag:s9], $0x2780  }
0x2b: {  	[sflag:s9] =	ssyncset.done $0x0  }
0x2c: {  	[sflag:s9] =	ssyncadd.s32 $0xFFFFD880  }
0x2d: {  	_ =	sfence.sel $0x180000  }
0x2e: {  	[bflag:$0x0] =	sbarrier.arrive $0xFFFF  }
0x2f: {  	p0 =	sne.s32 s0, $0x0;
	_ =	strace $0x90000047  }
0x30: {  	s0 =	sadd.s32 @!p0 $0x100000, s1;
	[bflag:$0x2] =	sbarrier.arrive $0xFFFF  }
0x31: {  	[sflag:s0] =	ssyncadd.tile.s32 @!p0 $0x1;
	_ =	shalt  }
.Lfunc_end2:
_tile_overlayer_lowered:
.L_overlay_start_2:
0x32: {  	(tag) =	ssettag $0x2  }
0x33: {  	s0 =	rddreg [dreg:$0x0];
	s2 =	stileid.u32  }
0x34: {  	s1 =	rddreg [dreg:$0x1];
	p0 =	sne.s32 s2, $0x0  }
0x35: {  	s3 =	rddreg [dreg:$0x2];
	[bflag:$0x3] =	sbarrier.arrive $0xFFFF;
	s2 =	simm.s32 @!p0 $0x1C01  }
0x36: {  	[timem:s3], [sflag:s2] =	dma.local @!p0 [hbm:s0], s1  }
0x37: {  	s0 =	simm.s32 @!p0 $0x1  }
0x38: {  	_ =	swait.ge @!p0 [sflag:s0], s1  }
0x39: {  	s1 =	ssub.s32 @!p0 $0x0, s1;
	[sflag:s0] =	ssyncset.done @!p0 $0x0  }
0x3a: {  	[sflag:s0] =	ssyncadd.s32 @!p0 s1  }
0x3b: {  	[bflag:$0x3] =	sbarrier.arrive $0xFFFF  }
0x3c: {  	_ =	shalt  }

// kernel: kernel.9.cloned.1.call-start
scs
__scs_entry_jumppad:
0x0: {  	(pc) =	sbr.rel $0x88, $3  }
0x1: {  	(tag) =	ssettag $0x0;
	lr =	simm.s32 $0x1  }
0x2: {  	[smem:$0x3F9D] =	sst lr;
	_ =	strace $0xD0000000  }
0x3: {  	_ = 	snop  }
0x4: {  	_ = 	snop  }
0x5: {  	_ = 	snop  }
0x6: {  	_ = 	snop  }
0x7: {  	_ = 	snop  }
__scs_overlays_trampoline_lowered:
0x8: {  	[smem:$0x3FAC] =	sst s0  }
0x9: {  	[smem:$0x3FAD] =	sst s1  }
0xa: {  	[smem:$0x3FAE] =	sst s2  }
0xb: {  	[smem:$0x3FAF] =	sst s3  }
0xc: {  	[smem:$0x3FB0] =	sst s4  }
0xd: {  	[smem:$0x3FB1] =	sst s5  }
0xe: {  	[smem:$0x3FB2] =	sst s6  }
0xf: {  	[smem:$0x3FB3] =	sst s7  }
0x10: {  	[smem:$0x3FB4] =	sst s8  }
0x11: {  	[smem:$0x3FB5] =	sst s9;
	s0 =	simm.s32 @!p0 $0x0  }
0x12: {  	s1 =	sld [smem:$0x3F9B];
	s0 =	simm.s32 @p0 $0x1  }
0x13: {  	[smem:$0x3FB6] =	sst s0;
	s0 =	simm.s32 @!p1 $0x0  }
0x14: {  	s2 =	sld [smem:$0x3F9A];
	s0 =	simm.s32 @p1 $0x1  }
0x15: {  	[smem:$0x3FB7] =	sst s0;
	s0 =	simm.s32 @!p2 $0x0  }
0x16: {  	s3 =	sld [smem:$0x3FDB];
	s0 =	simm.s32 @p2 $0x1  }
0x17: {  	s4 =	simm.s32 $0x1BF5;
	[smem:$0x3FB9] =	sst s0  }
0x18: {  	s0 =	sld [smem:$0x3F9C];
	_ =	swait.ge [sflag:s4], $0x0  }
0x19: {  	s7 =	sld [smem:$0x3F9D]  }
0x1a: {  	s8 =	sadd.s32 $0xFFFFE003, lr  }
0x1b: {  	s9 =	sadd.s32 $0xFFFFFEF7, lr;
	s5 =	simm.s32 $0xFFFFFFFF;
	p2 =	slt.u32 s8, $0xFFFFF086  }
0x1c: {  	p1 =	slt.u32 s9, $0xF7A;
	s5 =	simm.s32 @!p2 $0x0  }
0x1d: {  	s5 =	simm.s32 @p1 $0x1;
	p0 =	seq.s32 s7, s2  }
0x1e: {  	s7 =	smul.u32 @!p0 $0xF7A, s2;
	p2 =	seq.s32 @!p0 s5, $0x0  }
0x1f: {  	s9 =	smul.u32 $0xF7A, s1;
	s8 =	simm.s32 @!p0 $0x1BF5;
	p2 =	por !p2, p0  }
0x20: {  	[sflag:s8] =	ssyncset.s32 @!p0 $0xFFFFF086;
	s6 =	sadd.s32 @!p0 s3, s7;
	s7 =	simm.s32 @!p0 $0x108  }
0x21: {  	s3 =	sadd.s32 s3, s9;
	s6 =	sadd.s32 @!p0 $0x88, s6;
	s7 =	simm.s32 @p2 $0x1082  }
0x22: {  	[simem:s7], [sflag:s8] =	dma.local @!p0 [hbm:s6], $0xF7A  }
0x23: {  	s9 =	sor.u32 $0xD0000000, s2;
	s6 =	simm.s32 $0x108;
	_ =	swait.ge @!p0 [sflag:s8], $0x0  }
0x24: {  	s3 =	sadd.s32 $0x88, s3;
	s6 =	simm.s32 @!p1 $0x1082;
	[sflag:s4] =	ssyncset.s32 $0xFFFFF086  }
0x25: {  	[simem:s6], [sflag:s4] =	dma.local [hbm:s3], $0xF7A  }
0x26: {  	[smem:$0x3F9D] =	sst s1;
	(tag) =	ssettag s2;
	_ =	strace s9  }
0x27: {  	s1 =	sld [smem:$0x3FAD]  }
0x28: {  	s2 =	sld [smem:$0x3FAE]  }
0x29: {  	s4 =	sld [smem:$0x3FB0]  }
0x2a: {  	p0 =	seq.s32 s5, $0x0;
	s5 =	sld [smem:$0x3FB1]  }
0x2b: {  	s6 =	sld [smem:$0x3FB2]  }
0x2c: {  	s7 =	sld [smem:$0x3FB3]  }
0x2d: {  	s3 =	simm.s32 $0x108;
	s8 =	sld [smem:$0x3FB4]  }
0x2e: {  	s3 =	simm.s32 @!p0 $0x1082;
	s9 =	sld [smem:$0x3FB5]  }
0x2f: {  	lr =	sadd.s32 s0, s3;
	s0 =	sld [smem:$0x3FAC]  }
0x30: {  	s3 =	sld [smem:$0x3FAF]  }
0x31: {  	[smem:$0x3FB8] =	sst s10  }
0x32: {  	s10 =	sld [smem:$0x3FB6];
	_ =	sdelay $0x3  }
0x33: {  	p0 =	seq.s32 s10, $0x1;
	s10 =	sld [smem:$0x3FB8];
	_ =	sdelay $0x3  }
0x34: {  	[smem:$0x3FB8] =	sst s10  }
0x35: {  	s10 =	sld [smem:$0x3FB7];
	_ =	sdelay $0x3  }
0x36: {  	p1 =	seq.s32 s10, $0x1;
	s10 =	sld [smem:$0x3FB8];
	_ =	sdelay $0x3  }
0x37: {  	[smem:$0x3FB8] =	sst s10  }
0x38: {  	s10 =	sld [smem:$0x3FB9]  }
0x39: {  	_ = 	snop;
	(pc) =	sbr.ind lr, $3  }
0x3a: {  	_ = 	snop  }
0x3b: {  	_ = 	snop  }
0x3c: {  	p2 =	seq.s32 s10, $0x1;
	s10 =	sld [smem:$0x3FB8]  }
0x3d: {  	_ =	shalt  }
0x3e: {  	_ =	shalt  }
0x3f: {  	_ =	shalt  }
0x40: {  	_ =	shalt  }
0x41: {  	_ =	shalt  }
0x42: {  	_ =	shalt  }
0x43: {  	_ =	shalt  }
0x44: {  	_ =	shalt  }
0x45: {  	_ =	shalt  }
0x46: {  	_ =	shalt  }
0x47: {  	_ =	shalt  }
0x48: {  	_ =	shalt  }
0x49: {  	_ =	shalt  }
0x4a: {  	_ =	shalt  }
0x4b: {  	_ =	shalt  }
0x4c: {  	_ =	shalt  }
0x4d: {  	_ =	shalt  }
0x4e: {  	_ =	shalt  }
0x4f: {  	_ =	shalt  }
0x50: {  	_ =	shalt  }
0x51: {  	_ =	shalt  }
0x52: {  	_ =	shalt  }
0x53: {  	_ =	shalt  }
0x54: {  	_ =	shalt  }
0x55: {  	_ =	shalt  }
0x56: {  	_ =	shalt  }
0x57: {  	_ =	shalt  }
0x58: {  	_ =	shalt  }
0x59: {  	_ =	shalt  }
0x5a: {  	_ =	shalt  }
0x5b: {  	_ =	shalt  }
0x5c: {  	_ =	shalt  }
0x5d: {  	_ =	shalt  }
0x5e: {  	_ =	shalt  }
0x5f: {  	_ =	shalt  }
0x60: {  	_ =	shalt  }
0x61: {  	_ =	shalt  }
0x62: {  	_ =	shalt  }
0x63: {  	_ =	shalt  }
0x64: {  	_ =	shalt  }
0x65: {  	_ =	shalt  }
0x66: {  	_ =	shalt  }
0x67: {  	_ =	shalt  }
0x68: {  	_ =	shalt  }
0x69: {  	_ =	shalt  }
0x6a: {  	_ =	shalt  }
0x6b: {  	_ =	shalt  }
0x6c: {  	_ =	shalt  }
0x6d: {  	_ =	shalt  }
0x6e: {  	_ =	shalt  }
0x6f: {  	_ =	shalt  }
0x70: {  	_ =	shalt  }
0x71: {  	_ =	shalt  }
0x72: {  	_ =	shalt  }
0x73: {  	_ =	shalt  }
0x74: {  	_ =	shalt  }
0x75: {  	_ =	shalt  }
0x76: {  	_ =	shalt  }
0x77: {  	_ =	shalt  }
0x78: {  	_ =	shalt  }
0x79: {  	_ =	shalt  }
0x7a: {  	_ =	shalt  }
0x7b: {  	_ =	shalt  }
0x7c: {  	_ =	shalt  }
0x7d: {  	_ =	shalt  }
0x7e: {  	_ =	shalt  }
0x7f: {  	_ =	shalt  }
0x80: {  	_ =	shalt  }
0x81: {  	_ =	shalt  }
0x82: {  	_ =	shalt  }
0x83: {  	_ =	shalt  }
0x84: {  	_ =	shalt  }
0x85: {  	_ =	shalt  }
0x86: {  	_ =	shalt  }
0x87: {  	_ =	shalt  }
.Lfunc_end0:
.L_simem_size_0:
called_computation.1_lowered:
.L_overlay_start_0:
0x88: {  	s2 =	sld [smem:$0x3FD9]  }
0x89: {  	s3 =	sld [smem:$0x3FFE];
	_ =	sdelay $0x1  }
0x8a: {  	s1 =	srdreg.scid  }
0x8b: {  	s0 =	sand.u32 $0x1, s1  }
0x8c: {  	s17 =	sshll.u32 s0, $0xA;
	s2 =	sadd.s32 s3, s2  }
0x8d: {  	s2 =	sadd.s32 s2, s17  }
0x8e: {  	[smem:$0x3FC4] =	sst s2  }
0x8f: {  	_ = 	snop  }
0x90: {  	s2 =	sld [smem:$0x3FD0];
	(tm) =	ssettm $0x1  }
0x91: {  	s18 =	sld [smem:$0x3FFB];
	_ =	sdelay $0x3  }
0x92: {  	_ =	strace s18  }
0x93: {  	s3 =	sld [smem:$0x3FFC];
	_ =	sdelay $0x3  }
0x94: {  	_ =	strace s3  }
0x95: {  	s3 =	sld [smem:$0x3FFD];
	_ =	sdelay $0x3  }
0x96: {  	_ =	strace s3  }
0x97: {  	_ =	strace $0x8FFFFFFF  }
0x98: {  	s19 =	sld [smem:$0x3FDB];
	_ =	sdelay $0x1  }
0x99: {  	s4 =	simm.s32 $_scs_section_size  }
0x9a: {  	s5 =	simm.s32 $_size__tile_overlayer_lowered;
	s6 =	simm.s32 $_tile_overlayer_lowered  }
0x9b: {  	s22 =	simm.s32 $0x1BFF;
	s21 =	sshll.u32 s6, $0x1;
	s3 =	sadd.s32 s4, s19  }
0x9c: {  	s7 =	simm.s32 $0x0;
	s20 =	sshll.u32 s5, $0x1;
	s5 =	sadd.s32 s21, s3  }
0x9d: {  	[timem:s7], [sflag:s22] =	dma.local [hbm:s5], s20  }
0x9e: {  	_ =	swait.ge [sflag:s22], s20  }
0x9f: {  	s4 =	ssub.s32 $0x0, s20;
	[sflag:s22] =	ssyncset.done $0x0  }
0xa0: {  	[sflag:s22] =	ssyncadd.s32 s4;
	_ =	sdelay $0x1  }
0xa1: {  	s23 =	simm.s32 $0x1B8B  }
0xa2: {  	_ =	swait.ge [sflag:s23], $0x1  }
0xa3: {  	[sflag:s23] =	ssyncset.done $0x0  }
0xa4: {  	s25 =	simm.s32 $0x1B8E;
	s24 =	sld [smem:$0x3FFE];
	[sflag:s23] =	ssyncadd.s32 $0xFFFFFFFF  }
0xa5: {  	s26 =	simm.s32 $execute0_lowered;
	[smem:$0x3FD2] =	sst s25  }
0xa6: {  	s5 =	sshll.u32 s26, $0x1;
	_ =	strace $0x80000049;
	[dreg:$0x1] =	wrdreg $0xFFFFFFFF  }
0xa7: {  	s28 =	simm.s32 $_size_execute0_lowered;
	s3 =	sadd.s32 s3, s5;
	[dreg:$0x0] =	wrdreg $0x0  }
0xa8: {  	s5 =	sshll.u32 s28, $0x1;
	[dreg:$0x2] =	wrdreg s3  }
0xa9: {  	[dreg:$0x3] =	wrdreg s5  }
0xaa: {  	[dreg:$0x4] =	wrdreg $0xC0  }
0xab: {  	_ =	task [dreg:s7], $0x5FFFF  }
0xac: {  	[dreg:$0x1] =	wrdreg $0xFFFFFFFF  }
0xad: {  	[dreg:$0x0] =	wrdreg $0x60  }
0xae: {  	[dreg:$0x2] =	wrdreg s2  }
0xaf: {  	[dreg:$0x3] =	wrdreg s24  }
0xb0: {  	[dreg:$0x4] =	wrdreg $0xC3800  }
0xb1: {  	[dreg:$0x5] =	wrdreg $0x9  }
0xb2: {  	_ =	task.clear_ibuf [dreg:s7], $0x6FFFF;
	_ =	strace $0x90000049  }
0xb3: {  	s29 =	simm.s32 $0x9;
	_ =	strace $0x8000004B  }
0xb4: {  	_ =	swait.ge [sflag:s29], $0x1  }
0xb5: {  	[sflag:s29] =	ssyncadd.s32 $0xFFFFFFFF  }
0xb6: {  	_ =	strace $0x9000004B  }
0xb7: {  	_ =	sfence  }
0xb8: {  	s30 =	sld [smem:$0x0];
	_ =	sdelay $0x2  }
0xb9: {  	s31 =	sshll.u32 s1, $0xD;
	s1 =	sshrl.u32 s1, $0x2  }
0xba: {  	s3 =	sand.u32 $0x4000, s31;
	s1 =	sadd.s32 s1, s30  }
0xbb: {  	s0 =	sor.u32 s3, s0;
	s1 =	sshll.u32 s1, $0x11  }
0xbc: {  	s0 =	sor.u32 s1, s0  }
0xbd: {  	s0 =	sadd.s32 $0x8F2B, s0  }
0xbe: {  	[sflag:s0] =	ssyncadd.remote.s32 $0x1  }
0xbf: {  	_ =	sfence.sel $0xFFFF  }
0xc0: {  	[dreg:$0x0] =	wrdreg $0xFFFFFFFF;
	(pc) =	sbr.abs _section_cstart, $3  }
0xc1: {  	[dreg:$0x1] =	wrdreg $0xFFFFFFFF  }
0xc2: {  	_ =	task.clear_ibuf [dreg:s7], $0x2FFFF;
	_ =	strace $0x9FFFFFFF  }
0xc3: {  	(tm) =	ssettm $0x7FFFFFFF  }
tec
execute0_lowered:
.L_overlay_start_1:
0x0: {  	(tag) =	ssettag $0x1  }
0x1: {  	s1 =	rddreg [dreg:$0x0]  }
0x2: {  	s6 =	rddreg [dreg:$0x1]  }
0x3: {  	s0 =	srdreg.scid;
	s3 =	rddreg [dreg:$0x2];
	s15 =	simm.s32 $0x5B80  }
0x4: {  	s16 =	simm.s32 $0x1;
	s5 =	sand.u32 $0x1, s0;
	s0 =	stileid.u32  }
0x5: {  	s17 =	simm.s32 $0x68;
	s18 =	simm.s32 $0x5780;
	s29 =	smul.u32 $0x13C00, s0  }
0x6: {  	s19 =	simm.s32 $0x0;
	s2 =	sshll.u32 s5, $0x4;
	s10 =	smul.u32 $0x13C000, s5  }
0x7: {  	s8 =	sshll.u32 s0, $0x7;
	s5 =	ssub.s32 $0x2, s5;
	s12 =	smul.u32 $0x4F000, s0  }
0x8: {  	s13 =	sshll.u32 s0, $0x6;
	s4 =	sor.u32 s0, s2;
	s8 =	sand.u32 $0x380, s8  }
0x9: {  	s30 =	sshrl.u32 s5, $0x1;
	s13 =	sor.u32 $0x1C02, s13;
	s2 =	sshrl.u32 s4, $0x3  }
0xa: {  	s9 =	smul.u32 $0x680, s4;
	s4 =	simm.s32 $0x0;
	s11 =	sshrl.u32 s29, $0x3  }
0xb: {  	s31 =	sshrl.u32 s12, $0x2;
	s7 =	smul.u32 $0x13C00, s2;
	s2 =	rddreg [dreg:$0x3]  }
0xc: {  	s12 =	simm.s32 $0x2;
	[smem:$0x7FF] =	sst s4;
	s11 =	sadd.s32 s11, s6  }
0xd: {  	s14 =	sadd.s32 s31, s3;
	_ =	strace $0x8000004A;
	s9 =	sadd.s32 s9, s6  }
0xe: {  	s14 =	sshrl.u32 s14, $0x3;
	s7 =	sor.u32 s8, s7;
	s8 =	sadd.s32 s29, s10  }
0xf: {  	s10 =	ssub.s32 s5, s30;
	s7 =	sshrl.u32 s7, $0x3;
	s8 =	sshrl.u32 s8, $0x3  }
0x10: {  	s7 =	sadd.s32 s7, s6;
	s8 =	sadd.s32 s8, s6;
	s6 =	sadd.s32 $0x1400, s9  }
0x11: {  	s9 =	smax.u32 s10, $0x1;
	s10 =	simm.s32 $0x80;
	s5 =	sadd.s32 $0x84C00, s7  }
0x12: {  	s7 =	sadd.s32 $0xE400, s11;
	s8 =	sadd.s32 $0x8EA00, s8;
	s11 =	simm.s32 $0x400  }
.LBB2_1:
0x13: {  	[tilespmem:s4], [sflag:$0x2] =	stream.strided.gather [hbm4b:s5+s10], $0x2780, s11, s10, $0x38;
	[tilespmem:$0x1FF80] =	vst v63  }
0x14: {  	_ =	swait.ge [sflag:s12], $0x2780  }
0x15: {  	[sflag:s12] =	ssyncset.done $0x0  }
0x16: {  	s20 =	simm.s32 $0x2780;
	[sflag:s12] =	ssyncadd.s32 $0xFFFFD880  }
0x17: {  	[tilespmem:s20], [sflag:$0x2] =	stream.linear.gather [hbm4b:s6+s4], $0x3080, $0x38;
	[tilespmem:$0x1FF80] =	vst v63  }
0x18: {  	_ =	swait.ge [sflag:s12], $0x3080  }
0x19: {  	[sflag:s12] =	ssyncset.done $0x0  }
0x1a: {  	[sflag:s12] =	ssyncadd.s32 $0xFFFFCF80  }
0x1b: {  	[spmem:s14], [sflag:s13] =	dma.local [hbm:s7], $0x2780  }
0x1c: {  	_ =	swait.ge [sflag:s12], $0x2780  }
0x1d: {  	s21 =	sand.u32 $0x1, s4;
	[sflag:s12] =	ssyncset.done $0x0  }
0x1e: {  	s22 =	sxor.u32 $0x1, s21;
	[sflag:s12] =	ssyncadd.s32 $0xFFFFD880  }
0x1f: {  	s22 =	smul.u32 $0xD000, s22;
	[bflag:$0x0] =	sbarrier.arrive $0xFFFF  }
0x20: {  	[tilespmem:s15], [sflag:$0x1] =	stream.indirect.gather [hbm4b:s1+s17], $0x80, s4, s17, $0xb8;
	[tilespmem:$0x1FF80] =	vst v63  }
0x21: {  	s21 =	smul.u32 $0xD000, s21;
	_ =	swait.ge [sflag:s16], $0x3400  }
0x22: {  	s31 =	simm.s32 $0x1;
	s22 =	sshrl.u32 s22, $0x2;
	[sflag:s16] =	ssyncset.done $0x0  }
0x23: {  	s21 =	sshrl.u32 s21, $0x2;
	s22 =	sadd.s32 $0x5B80, s22;
	[sflag:s16] =	ssyncadd.s32 $0xFFFFCC00  }
0x24: {  	[tilespmem:s22], [sflag:$0x1] =	stream.indirect.gather [hbm4b:s1+s17], $0x80, s17, s17, $0xb8;
	[tilespmem:$0x1FF80] =	vst v63  }
0x25: {  	s23 =	simm.s32 $0x2;
	s21 =	sadd.s32 $0x5B80, s21;
	s22 =	sand.u32 $0x1, s31  }
0x26: {  	[spmem:s3] =	stream.indirect.scatter.add.f32 [tilespmem:s21], [sflag:$0x2], $0x80, s20, s17, $0xb8;
	[tilespmem:$0x1FF80] =	vst v63  }
0x27: {  	s20 =	simm.s32 $0xD0;
	s21 =	simm.s32 $0x2800;
	_ =	swait.ge [sflag:s12], $0x3400  }
.LBB2_2:
0x28: {  	s24 =	sxor.u32 $0x1, s22  }
0x29: {  	[sflag:s12] =	ssyncset.done $0x0;
	s25 =	smov.u32 s23;
	s26 =	sadd.s32 $0x1, s23  }
0x2a: {  	p0 =	sne.s32 s23, $0x5F;
	s23 =	smul.u32 $0xD000, s24;
	[sflag:s12] =	ssyncadd.s32 $0xFFFFCC00  }
0x2b: {  	_ =	swait.ge [sflag:s16], $0x3400  }
0x2c: {  	s22 =	smul.u32 $0xD000, s22;
	[sflag:s16] =	ssyncset.done $0x0;
	s23 =	sshrl.u32 s23, $0x2  }
0x2d: {  	[sflag:s16] =	ssyncadd.s32 $0xFFFFCC00;
	s23 =	sadd.s32 $0x5B80, s23  }
0x2e: {  	[tilespmem:s23], [sflag:$0x1] =	stream.indirect.gather [hbm4b:s1+s17], $0x80, s20, s17, $0xb8;
	[tilespmem:$0x1FF80] =	vst v63  }
.Ltmp0:
0x2f: {  	_ = 	snop;
	(pc) =	sbr.rel @p0 .LBB2_2-.Ltmp0, $4  }
0x30: {  	s22 =	sshrl.u32 s22, $0x2  }
0x31: {  	s22 =	sadd.s32 $0x5B80, s22;
	s20 =	sadd.s32 $0x68, s20;
	s23 =	smov.u32 s26  }
0x32: {  	[spmem:s3] =	stream.indirect.scatter.add.f32 [tilespmem:s22], [sflag:$0x2], $0x80, s21, s17, $0xb8;
	[tilespmem:$0x1FF80] =	vst v63  }
0x33: {  	s22 =	sand.u32 $0x1, s25;
	s21 =	sadd.s32 $0x80, s21;
	_ =	swait.ge [sflag:s12], $0x3400  }
0x34: {  	s23 =	sxor.u32 $0x1, s22;
	[sflag:s12] =	ssyncset.done $0x0  }
0x35: {  	s23 =	smul.u32 $0xD000, s23;
	[sflag:s12] =	ssyncadd.s32 $0xFFFFCC00  }
0x36: {  	s30 =	smul.u32 $0xD000, s22;
	_ =	swait.ge [sflag:s16], $0x3400  }
0x37: {  	[sflag:s16] =	ssyncset.done $0x0;
	s23 =	sshrl.u32 s23, $0x2  }
0x38: {  	s31 =	sshrl.u32 s30, $0x2;
	[sflag:s16] =	ssyncadd.s32 $0xFFFFCC00;
	s23 =	sadd.s32 $0x5B80, s23  }
0x39: {  	[tilespmem:s23], [sflag:$0x1] =	stream.indirect.gather [hbm4b:s1+s17], $0x80, s20, s17, $0xb8;
	[tilespmem:$0x1FF80] =	vst v63  }
0x3a: {  	s20 =	sadd.s32 $0x5B80, s31  }
0x3b: {  	[spmem:s3] =	stream.indirect.scatter.add.f32 [tilespmem:s20], [sflag:$0x2], $0x80, s21, s17, $0xb8;
	[tilespmem:$0x1FF80] =	vst v63  }
0x3c: {  	_ =	swait.ge [sflag:s12], $0x3400  }
0x3d: {  	[sflag:s12] =	ssyncset.done $0x0  }
0x3e: {  	[sflag:s12] =	ssyncadd.s32 $0xFFFFCC00  }
0x3f: {  	_ =	swait.ge [sflag:s16], $0x3400  }
0x40: {  	[sflag:s16] =	ssyncset.done $0x0  }
0x41: {  	[sflag:s16] =	ssyncadd.s32 $0xFFFFCC00  }
0x42: {  	[spmem:s3] =	stream.indirect.scatter.add.f32 [tilespmem:s15], [sflag:$0x2], $0x80, s18, s17, $0xb8;
	[tilespmem:$0x1FF80] =	vst v63  }
0x43: {  	_ =	swait.ge [sflag:s12], $0x3400  }
0x44: {  	s19 =	sadd.s32 $0x1, s19;
	[sflag:s12] =	ssyncset.done $0x0  }
0x45: {  	p0 =	sne.s32 s19, s9;
	[sflag:s12] =	ssyncadd.s32 $0xFFFFCC00  }
.Ltmp1:
0x46: {  	[bflag:$0x0] =	sbarrier.arrive $0xFFFF;
	(pc) =	sbr.rel @p0 .LBB2_1-.Ltmp1, $4  }
0x47: {  	[hbm:s8], [sflag:s13] =	dma.local [spmem:s14], $0x2780  }
0x48: {  	_ =	swait.ge [sflag:s12], $0x2780  }
0x49: {  	[sflag:s12] =	ssyncset.done $0x0  }
0x4a: {  	[sflag:s12] =	ssyncadd.s32 $0xFFFFD880  }
0x4b: {  	_ =	sfence.sel $0x180000  }
0x4c: {  	[bflag:$0x0] =	sbarrier.arrive $0xFFFF  }
0x4d: {  	p0 =	sne.s32 s0, $0x0;
	_ =	strace $0x9000004A  }
0x4e: {  	s0 =	sadd.s32 @!p0 $0x100000, s2;
	[bflag:$0x2] =	sbarrier.arrive $0xFFFF  }
0x4f: {  	[sflag:s0] =	ssyncadd.tile.s32 @!p0 $0x1;
	_ =	shalt  }
.Lfunc_end2:
_tile_overlayer_lowered:
.L_overlay_start_2:
0x50: {  	(tag) =	ssettag $0x2  }
0x51: {  	s0 =	rddreg [dreg:$0x0];
	s2 =	stileid.u32  }
0x52: {  	s1 =	rddreg [dreg:$0x1];
	p0 =	sne.s32 s2, $0x0  }
0x53: {  	s3 =	rddreg [dreg:$0x2];
	[bflag:$0x3] =	sbarrier.arrive $0xFFFF;
	s2 =	simm.s32 @!p0 $0x1C02  }
0x54: {  	[timem:s3], [sflag:s2] =	dma.local @!p0 [hbm:s0], s1  }
0x55: {  	s0 =	simm.s32 @!p0 $0x2  }
0x56: {  	_ =	swait.ge @!p0 [sflag:s0], s1  }
0x57: {  	s1 =	ssub.s32 @!p0 $0x0, s1;
	[sflag:s0] =	ssyncset.done @!p0 $0x0  }
0x58: {  	[sflag:s0] =	ssyncadd.s32 @!p0 s1  }
0x59: {  	[bflag:$0x3] =	sbarrier.arrive $0xFFFF  }
0x5a: {  	_ =	shalt  }

</sc_bundles>
